<compile_context>
chip_gen: v7x
topology: tpu7x:2x2x1
jax: 0.10.2.dev20260603
libtpu: 0.0.44.dev20260713+nightly
codegen_flags: <defaults>
</compile_context>

<pallas_src>
import jax
import jax.numpy as jnp
from jax import lax
from jax.experimental import pallas as pl
from jax.experimental.pallas import tpu as pltpu
from jax.experimental.pallas import tpu_sc as plsc

OP_SHL = 0
OP_SHR = 1
MARK_AX = 2
ALU_LO = 16
ALU_HI = 32
AX_CARRY_LO = 48
OUTPUT_LO = 64
OUTPUT_HI = 80

B = 16384
D = 512
NC = 2
NS = 16
NW = NC * NS
ROWS_PER_W = B // NW
CHUNK = 64
NCHUNKS = ROWS_PER_W // CHUNK
NBUF = 3


def _patch_rows(buf, lanes):

    def row_body(r, carry):
        head = buf[r, pl.ds(OP_SHL, 16)]
        w_lo = buf[r, pl.ds(ALU_LO, 16)]
        w_hi = buf[r, pl.ds(ALU_HI, 16)]
        w_sh = buf[r, pl.ds(AX_CARRY_LO, 16)]

        def argmax16(w):
            return plsc.all_reduce_ffs(w == jnp.max(w, axis=0))

        a = argmax16(w_lo) + 16 * argmax16(w_hi)
        shv = jnp.minimum(argmax16(w_sh), 7)
        hi_shr = lax.shift_right_logical(a, shv + 4)

        hb = head > 0.5
        b_shl = plsc.all_reduce_population_count(hb & (lanes == OP_SHL)) > 0
        b_shr = plsc.all_reduce_population_count(hb & (lanes == OP_SHR)) > 0
        b_ax = plsc.all_reduce_population_count(hb & (lanes == MARK_AX)) > 0
        act_shl = b_shl & b_ax
        act = (b_shl | b_shr) & b_ax
        off = jnp.where(act_shl, 0, hi_shr)

        v_lo = buf[r, pl.ds(OUTPUT_LO, 16)]
        buf[r, pl.ds(OUTPUT_LO, 16)] = v_lo + jnp.where(
            act & (lanes == 0), 1.0, 0.0)
        v_hi = buf[r, pl.ds(OUTPUT_HI, 16)]
        buf[r, pl.ds(OUTPUT_HI, 16)] = v_hi + jnp.where(
            act & (lanes == off), 1.0, 0.0)
        return carry

    lax.fori_loop(0, CHUNK, row_body, 0)


def _sc_body(x_hbm, out_hbm, *scratch):
    bufs = scratch[:NBUF]
    sems_in = scratch[NBUF:2 * NBUF]
    sems_out = scratch[2 * NBUF:]
    wid = lax.axis_index("s") * NC + lax.axis_index("c")
    base = wid * ROWS_PER_W
    lanes = lax.iota(jnp.int32, 16)

    def start_in(t):
        return pltpu.async_copy(
            x_hbm.at[pl.ds(base + t * CHUNK, CHUNK)], bufs[t % NBUF],
            sems_in[t % NBUF])

    in_flight = {t: start_in(t) for t in range(min(2, NCHUNKS))}
    out_flight = {}

    for t in range(NCHUNKS):
        slot = t % NBUF
        buf = bufs[slot]
        in_flight.pop(t).wait()
        _patch_rows(buf, lanes)
        out_flight[t] = pltpu.async_copy(
            buf, out_hbm.at[pl.ds(base + t * CHUNK, CHUNK)], sems_out[slot])
        nxt = t + 2
        if nxt < NCHUNKS:
            prev = nxt - NBUF
            if prev in out_flight:
                out_flight.pop(prev).wait()
            in_flight[nxt] = start_in(nxt)
    for t in sorted(out_flight):
        out_flight[t].wait()


@jax.jit
def kernel(x):
    mesh = plsc.VectorSubcoreMesh(core_axis_name="c", subcore_axis_name="s")
    run = pl.kernel(
        _sc_body,
        out_type=jax.ShapeDtypeStruct((B, D), jnp.float32),
        mesh=mesh,
        scratch_types=(
            [pltpu.VMEM((CHUNK, D), jnp.float32)] * NBUF
            + [pltpu.SemaphoreType.DMA] * (2 * NBUF)
        ),
        compiler_params=pltpu.CompilerParams(
            use_tc_tiling_on_sc=True, needs_layout_passes=False),
    )
    return run(x)

# --- scband reference (transcript-rebuilt; emitter-appended) ---
"""Pipeline reference for scband-shift-module-25606595018769 (READ-ONLY COPY).

The authoritative reference and input builder live on the scoring server;
editing this copy changes nothing except your own understanding.
"""

import jax, jax.numpy as jnp
import numpy as np

# Bit-field layout constants (stand-in for neural_vm.vm_step._SetDim);
# offsets chosen to be disjoint within d_model=512.
OP_SHL = 0
OP_SHR = 1
MARK_AX = 2
ALU_LO = 16
ALU_HI = 32
AX_CARRY_LO = 48
OUTPUT_LO = 64
OUTPUT_HI = 80

MAGIC32 = 1.5 * float(2 ** 23)


def magic_floor(x):
    x32 = x.astype(jnp.float32)
    x_shifted = x32 - 0.5 + 0.001
    return x_shifted + MAGIC32 - MAGIC32


def setup_inputs(seed: int = 0) -> dict:
    key = jax.random.key(seed)
    x = jax.random.uniform(key, (16384, 512), dtype=jnp.float32)
    return {"x": x}


def reference(x):
    B = x.shape[0]
    op_shl = x[:, OP_SHL]
    op_shr = x[:, OP_SHR]
    mark_ax = x[:, MARK_AX]
    active_shl = (op_shl > 0.5) & (mark_ax > 0.5)
    active_shr = (op_shr > 0.5) & (mark_ax > 0.5)

    a_lo = jnp.argmax(x[:, ALU_LO:ALU_LO + 16], axis=-1).astype(jnp.float32)
    a_hi = jnp.argmax(x[:, ALU_HI:ALU_HI + 16], axis=-1).astype(jnp.float32)
    a = a_lo + 16.0 * a_hi
    shift = jnp.argmax(x[:, AX_CARRY_LO:AX_CARRY_LO + 16], axis=-1).astype(jnp.float32)
    shift = jnp.clip(shift, 0.0, 7.0)
    pow2 = jnp.power(2.0, shift)

    shl_result = a * pow2
    shl_result = shl_result - magic_floor(shl_result / 256.0) * 256.0
    shr_result = magic_floor(a / pow2)

    result = jnp.where(active_shl, shl_result, shr_result)
    r_lo = result - magic_floor(result / 16.0) * 16.0
    r_hi = magic_floor(result / 16.0)

    active = active_shl | active_shr
    rows = jnp.arange(B)
    idx_lo = OUTPUT_LO + (r_lo.astype(jnp.int32) % 16)
    idx_hi = OUTPUT_HI + (r_hi.astype(jnp.int32) % 16)
    active_f = active.astype(x.dtype)

    # Vectorized equivalent of the per-row Python loop: write 1.0 at
    # (i, OUTPUT_LO + r_lo_i) and (i, OUTPUT_HI + r_hi_i) for active rows.
    # Index ranges are disjoint, so .add into zeros == .set of 1.0.
    delta = jnp.zeros_like(x)
    delta = delta.at[rows, idx_lo].add(active_f)
    delta = delta.at[rows, idx_hi].add(active_f)

    # The torch early-return (no active rows -> return x) is equivalent to
    # x + delta since delta is all-zero in that case.
    return x + delta

if __name__ == "__main__":
    import jax
    _d = setup_inputs()
    print(jax.jit(kernel)(*tuple(_d.values())))

</pallas_src>

<mosaic_0001>
#map = affine_map<(d0, d1) -> (0, 0)>
module attributes {stable_mosaic.version = 14 : i64} {
  func.func @_sc_body(%arg0: i32, %arg1: i32, %arg2: memref<16384x512xf32, #tpu.memory_space<hbm>>, %arg3: memref<16384x512xf32, #tpu.memory_space<hbm>>, %arg4: memref<64x512xf32, #tpu.memory_space<vmem>>, %arg5: memref<64x512xf32, #tpu.memory_space<vmem>>, %arg6: memref<64x512xf32, #tpu.memory_space<vmem>>, %arg7: memref<!tpu.dma_semaphore, #tpu.memory_space<semaphore_mem>>, %arg8: memref<!tpu.dma_semaphore, #tpu.memory_space<semaphore_mem>>, %arg9: memref<!tpu.dma_semaphore, #tpu.memory_space<semaphore_mem>>, %arg10: memref<!tpu.dma_semaphore, #tpu.memory_space<semaphore_mem>>, %arg11: memref<!tpu.dma_semaphore, #tpu.memory_space<semaphore_mem>>, %arg12: memref<!tpu.dma_semaphore, #tpu.memory_space<semaphore_mem>>) attributes {dimension_semantics = [#tpu.dimension_semantics<core_parallel>, #tpu.dimension_semantics<subcore_parallel>], iteration_bounds = array<i64: 2, 16>, scalar_prefetch = 0 : i64, scratch_operands = 9 : i64, tpu.core_type = #tpu.core_type<sc_vector_subcore>, window_params = [{transform_indices = #map}, {transform_indices = #map}]} {
    %mul3A = arith.constant 2 : i32
    %mul3A_0 = arith.muli %arg1, %mul3A : i32
    %add3A = arith.addi %mul3A_0, %arg0 : i32
    %mul3A_1 = arith.constant 512 : i32
    %mul3A_2 = arith.muli %add3A, %mul3A_1 : i32
    %iota3A = tpu.iota {dimensions = array<i32: 0>} : vector<16xi32>
    %add3A_3 = arith.constant 0 : i32
    %add3A_4 = arith.addi %mul3A_2, %add3A_3 : i32
    %dma_start3A = arith.constant 0 : i32
    %dma_start3A_5 = tpu.memref_slice %arg2[%add3A_4, %dma_start3A] : memref<16384x512xf32, #tpu.memory_space<hbm>> -> memref<64x512xf32, #tpu.memory_space<hbm>>
    %dma_start3A_6 = arith.constant 0 : i32
    %dma_start3A_7 = tpu.memref_slice %arg2[%add3A_4, %dma_start3A_6] : memref<16384x512xf32, #tpu.memory_space<hbm>> -> memref<64x512xf32, #tpu.memory_space<hbm>>
    tpu.enqueue_dma source(%dma_start3A_7 : memref<64x512xf32, #tpu.memory_space<hbm>>) target(%arg4 : memref<64x512xf32, #tpu.memory_space<vmem>>) target_semaphore(%arg7 : memref<!tpu.dma_semaphore, #tpu.memory_space<semaphore_mem>>)
    %add3A_8 = arith.constant 64 : i32
    %add3A_9 = arith.addi %mul3A_2, %add3A_8 : i32
    %dma_start3A_10 = arith.constant 0 : i32
    %dma_start3A_11 = tpu.memref_slice %arg2[%add3A_9, %dma_start3A_10] : memref<16384x512xf32, #tpu.memory_space<hbm>> -> memref<64x512xf32, #tpu.memory_space<hbm>>
    %dma_start3A_12 = arith.constant 0 : i32
    %dma_start3A_13 = tpu.memref_slice %arg2[%add3A_9, %dma_start3A_12] : memref<16384x512xf32, #tpu.memory_space<hbm>> -> memref<64x512xf32, #tpu.memory_space<hbm>>
    tpu.enqueue_dma source(%dma_start3A_13 : memref<64x512xf32, #tpu.memory_space<hbm>>) target(%arg5 : memref<64x512xf32, #tpu.memory_space<vmem>>) target_semaphore(%arg8 : memref<!tpu.dma_semaphore, #tpu.memory_space<semaphore_mem>>)
    %dma_wait3A = arith.constant 0 : i32
    %dma_wait3A_14 = tpu.memref_slice %arg2[%add3A_4, %dma_wait3A] : memref<16384x512xf32, #tpu.memory_space<hbm>> -> memref<64x512xf32, #tpu.memory_space<hbm>>
    %dma_wait3A_15 = arith.constant 0 : i32
    %dma_wait3A_16 = tpu.memref_slice %arg2[%add3A_4, %dma_wait3A_15] : memref<16384x512xf32, #tpu.memory_space<hbm>> -> memref<64x512xf32, #tpu.memory_space<hbm>>
    tpu.wait_dma2 semaphore(%arg7 : memref<!tpu.dma_semaphore, #tpu.memory_space<semaphore_mem>>) src(%dma_wait3A_16 : memref<64x512xf32, #tpu.memory_space<hbm>>) dst(%arg4 : memref<64x512xf32, #tpu.memory_space<vmem>>)
    %scan3A = arith.constant 0 : i32
    %scan3A_17 = arith.constant 0 : i32
    %scan3A_18 = arith.constant 64 : i32
    %scan3A_19 = arith.addi %scan3A_17, %scan3A_18 : i32
    %scan3A_20 = arith.constant 1 : i32
    scf.for %scan3A_208 = %scan3A_17 to %scan3A_19 step %scan3A_20  : i32 {
      %get3A = arith.index_cast %scan3A_208 : i32 to index
      %get3A_209 = arith.constant 0 : index
      %get3A_210 = tpu.vector_load %arg4[%get3A, %get3A_209] {strides = array<i32>} : memref<64x512xf32, #tpu.memory_space<vmem>>, vector<16xf32>,
      %get3A_211 = arith.index_cast %scan3A_208 : i32 to index
      %get3A_212 = arith.constant 16 : index
      %get3A_213 = tpu.vector_load %arg4[%get3A_211, %get3A_212] {strides = array<i32>} : memref<64x512xf32, #tpu.memory_space<vmem>>, vector<16xf32>,
      %get3A_214 = arith.index_cast %scan3A_208 : i32 to index
      %get3A_215 = arith.constant 32 : index
      %get3A_216 = tpu.vector_load %arg4[%get3A_214, %get3A_215] {strides = array<i32>} : memref<64x512xf32, #tpu.memory_space<vmem>>, vector<16xf32>,
      %get3A_217 = arith.index_cast %scan3A_208 : i32 to index
      %get3A_218 = arith.constant 48 : index
      %get3A_219 = tpu.vector_load %arg4[%get3A_217, %get3A_218] {strides = array<i32>} : memref<64x512xf32, #tpu.memory_space<vmem>>, vector<16xf32>,
      %reduce_max3A = arith.constant true
      %reduce_max3A_220 = vector.broadcast %reduce_max3A : i1 to vector<16xi1>
      %reduce_max3A_221 = tpu.scan <max>, %get3A_213 masked %reduce_max3A_220 : vector<16xf32>, vector<16xi1> -> vector<16xf32>
      %reduce_max3A_222 = vector.extract %reduce_max3A_221[15] : f32 from vector<16xf32>
      %eq3A = vector.broadcast %reduce_max3A_222 : f32 to vector<16xf32>
      %eq3A_223 = arith.cmpf oeq, %get3A_213, %eq3A : vector<16xf32>
      %all_reduce_ffs3A = tpu.all_reduce %eq3A_223 {dim = 0 : i64, kind = #tpu.reduction_kind<find_first_set>} : vector<16xi1> -> vector<16xi32>
      %reduce_max3A_224 = arith.constant true
      %reduce_max3A_225 = vector.broadcast %reduce_max3A_224 : i1 to vector<16xi1>
      %reduce_max3A_226 = tpu.scan <max>, %get3A_216 masked %reduce_max3A_225 : vector<16xf32>, vector<16xi1> -> vector<16xf32>
      %reduce_max3A_227 = vector.extract %reduce_max3A_226[15] : f32 from vector<16xf32>
      %eq3A_228 = vector.broadcast %reduce_max3A_227 : f32 to vector<16xf32>
      %eq3A_229 = arith.cmpf oeq, %get3A_216, %eq3A_228 : vector<16xf32>
      %all_reduce_ffs3A_230 = tpu.all_reduce %eq3A_229 {dim = 0 : i64, kind = #tpu.reduction_kind<find_first_set>} : vector<16xi1> -> vector<16xi32>
      %mul3A_231 = arith.constant 16 : i32
      %mul3A_232 = vector.broadcast %mul3A_231 : i32 to vector<16xi32>
      %mul3A_233 = arith.muli %mul3A_232, %all_reduce_ffs3A_230 : vector<16xi32>
      %add3A_234 = arith.addi %all_reduce_ffs3A, %mul3A_233 : vector<16xi32>
      %reduce_max3A_235 = arith.constant true
      %reduce_max3A_236 = vector.broadcast %reduce_max3A_235 : i1 to vector<16xi1>
      %reduce_max3A_237 = tpu.scan <max>, %get3A_219 masked %reduce_max3A_236 : vector<16xf32>, vector<16xi1> -> vector<16xf32>
      %reduce_max3A_238 = vector.extract %reduce_max3A_237[15] : f32 from vector<16xf32>
      %eq3A_239 = vector.broadcast %reduce_max3A_238 : f32 to vector<16xf32>
      %eq3A_240 = arith.cmpf oeq, %get3A_219, %eq3A_239 : vector<16xf32>
      %all_reduce_ffs3A_241 = tpu.all_reduce %eq3A_240 {dim = 0 : i64, kind = #tpu.reduction_kind<find_first_set>} : vector<16xi1> -> vector<16xi32>
      %min3A = arith.constant 7 : i32
      %min3A_242 = vector.broadcast %min3A : i32 to vector<16xi32>
      %min3A_243 = arith.minsi %all_reduce_ffs3A_241, %min3A_242 : vector<16xi32>
      %add3A_244 = arith.constant 4 : i32
      %add3A_245 = vector.broadcast %add3A_244 : i32 to vector<16xi32>
      %add3A_246 = arith.addi %min3A_243, %add3A_245 : vector<16xi32>
      %shift_right_logical3A = arith.shrui %add3A_234, %add3A_246 : vector<16xi32>
      %gt3A = arith.constant 5.000000e-01 : f32
      %gt3A_247 = vector.broadcast %gt3A : f32 to vector<16xf32>
      %gt3A_248 = arith.cmpf ogt, %get3A_210, %gt3A_247 : vector<16xf32>
      %eq3A_249 = arith.constant 0 : i32
      %eq3A_250 = vector.broadcast %eq3A_249 : i32 to vector<16xi32>
      %eq3A_251 = arith.cmpi eq, %iota3A, %eq3A_250 : vector<16xi32>
      %and3A = arith.andi %gt3A_248, %eq3A_251 : vector<16xi1>
      %all_reduce_population_count3A = tpu.all_reduce %and3A {dim = 0 : i64, kind = #tpu.reduction_kind<sum>} : vector<16xi1> -> vector<16xi32>
      %gt3A_252 = arith.constant 0 : i32
      %gt3A_253 = vector.broadcast %gt3A_252 : i32 to vector<16xi32>
      %gt3A_254 = arith.cmpi sgt, %all_reduce_population_count3A, %gt3A_253 : vector<16xi32>
      %eq3A_255 = arith.constant 1 : i32
      %eq3A_256 = vector.broadcast %eq3A_255 : i32 to vector<16xi32>
      %eq3A_257 = arith.cmpi eq, %iota3A, %eq3A_256 : vector<16xi32>
      %and3A_258 = arith.andi %gt3A_248, %eq3A_257 : vector<16xi1>
      %all_reduce_population_count3A_259 = tpu.all_reduce %and3A_258 {dim = 0 : i64, kind = #tpu.reduction_kind<sum>} : vector<16xi1> -> vector<16xi32>
      %gt3A_260 = arith.constant 0 : i32
      %gt3A_261 = vector.broadcast %gt3A_260 : i32 to vector<16xi32>
      %gt3A_262 = arith.cmpi sgt, %all_reduce_population_count3A_259, %gt3A_261 : vector<16xi32>
      %eq3A_263 = arith.constant 2 : i32
      %eq3A_264 = vector.broadcast %eq3A_263 : i32 to vector<16xi32>
      %eq3A_265 = arith.cmpi eq, %iota3A, %eq3A_264 : vector<16xi32>
      %and3A_266 = arith.andi %gt3A_248, %eq3A_265 : vector<16xi1>
      %all_reduce_population_count3A_267 = tpu.all_reduce %and3A_266 {dim = 0 : i64, kind = #tpu.reduction_kind<sum>} : vector<16xi1> -> vector<16xi32>
      %gt3A_268 = arith.constant 0 : i32
      %gt3A_269 = vector.broadcast %gt3A_268 : i32 to vector<16xi32>
      %gt3A_270 = arith.cmpi sgt, %all_reduce_population_count3A_267, %gt3A_269 : vector<16xi32>
      %and3A_271 = arith.andi %gt3A_254, %gt3A_270 : vector<16xi1>
      %or3A = arith.ori %gt3A_254, %gt3A_262 : vector<16xi1>
      %and3A_272 = arith.andi %or3A, %gt3A_270 : vector<16xi1>
      %jit3A = arith.constant 0 : i32
      %broadcast_in_dim3A = vector.broadcast %jit3A : i32 to vector<16xi32>
      %select_n3A = arith.select %and3A_271, %broadcast_in_dim3A, %shift_right_logical3A : vector<16xi1>, vector<16xi32>
      %get3A_273 = arith.index_cast %scan3A_208 : i32 to index
      %get3A_274 = arith.constant 64 : index
      %get3A_275 = tpu.vector_load %arg4[%get3A_273, %get3A_274] {strides = array<i32>} : memref<64x512xf32, #tpu.memory_space<vmem>>, vector<16xf32>,
      %eq3A_276 = arith.constant 0 : i32
      %eq3A_277 = vector.broadcast %eq3A_276 : i32 to vector<16xi32>
      %eq3A_278 = arith.cmpi eq, %iota3A, %eq3A_277 : vector<16xi32>
      %and3A_279 = arith.andi %and3A_272, %eq3A_278 : vector<16xi1>
      %jit3A_280 = arith.constant 1.000000e+00 : f32
      %jit3A_281 = arith.constant 0.000000e+00 : f32
      %broadcast_in_dim3A_282 = vector.broadcast %jit3A_280 : f32 to vector<16xf32>
      %broadcast_in_dim3A_283 = vector.broadcast %jit3A_281 : f32 to vector<16xf32>
      %select_n3A_284 = arith.select %and3A_279, %broadcast_in_dim3A_282, %broadcast_in_dim3A_283 : vector<16xi1>, vector<16xf32>
      %add3A_285 = arith.addf %get3A_275, %select_n3A_284 : vector<16xf32>
      %swap3A = arith.index_cast %scan3A_208 : i32 to index
      %swap3A_286 = arith.constant 64 : index
      %swap3A_287 = tpu.vector_load %arg4[%swap3A, %swap3A_286] {strides = array<i32>} : memref<64x512xf32, #tpu.memory_space<vmem>>, vector<16xf32>,
      tpu.vector_store %arg4[%swap3A, %swap3A_286], %add3A_285 {strides = array<i32>} : memref<64x512xf32, #tpu.memory_space<vmem>>, vector<16xf32>,
      %get3A_288 = arith.index_cast %scan3A_208 : i32 to index
      %get3A_289 = arith.constant 80 : index
      %get3A_290 = tpu.vector_load %arg4[%get3A_288, %get3A_289] {strides = array<i32>} : memref<64x512xf32, #tpu.memory_space<vmem>>, vector<16xf32>,
      %eq3A_291 = arith.cmpi eq, %iota3A, %select_n3A : vector<16xi32>
      %and3A_292 = arith.andi %and3A_272, %eq3A_291 : vector<16xi1>
      %jit3A_293 = arith.constant 1.000000e+00 : f32
      %jit3A_294 = arith.constant 0.000000e+00 : f32
      %broadcast_in_dim3A_295 = vector.broadcast %jit3A_293 : f32 to vector<16xf32>
      %broadcast_in_dim3A_296 = vector.broadcast %jit3A_294 : f32 to vector<16xf32>
      %select_n3A_297 = arith.select %and3A_292, %broadcast_in_dim3A_295, %broadcast_in_dim3A_296 : vector<16xi1>, vector<16xf32>
      %add3A_298 = arith.addf %get3A_290, %select_n3A_297 : vector<16xf32>
      %swap3A_299 = arith.index_cast %scan3A_208 : i32 to index
      %swap3A_300 = arith.constant 80 : index
      %swap3A_301 = tpu.vector_load %arg4[%swap3A_299, %swap3A_300] {strides = array<i32>} : memref<64x512xf32, #tpu.memory_space<vmem>>, vector<16xf32>,
      tpu.vector_store %arg4[%swap3A_299, %swap3A_300], %add3A_298 {strides = array<i32>} : memref<64x512xf32, #tpu.memory_space<vmem>>, vector<16xf32>,
    }
    %scan3A_21 = arith.constant 64 : i32
    %add3A_22 = arith.constant 0 : i32
    %add3A_23 = arith.addi %mul3A_2, %add3A_22 : i32
    %dma_start3A_24 = arith.constant 0 : i32
    %dma_start3A_25 = tpu.memref_slice %arg3[%add3A_23, %dma_start3A_24] : memref<16384x512xf32, #tpu.memory_space<hbm>> -> memref<64x512xf32, #tpu.memory_space<hbm>>
    %dma_start3A_26 = arith.constant 0 : i32
    %dma_start3A_27 = tpu.memref_slice %arg3[%add3A_23, %dma_start3A_26] : memref<16384x512xf32, #tpu.memory_space<hbm>> -> memref<64x512xf32, #tpu.memory_space<hbm>>
    tpu.enqueue_dma source(%arg4 : memref<64x512xf32, #tpu.memory_space<vmem>>) target(%dma_start3A_27 : memref<64x512xf32, #tpu.memory_space<hbm>>) target_semaphore(%arg10 : memref<!tpu.dma_semaphore, #tpu.memory_space<semaphore_mem>>)
    %add3A_28 = arith.constant 128 : i32
    %add3A_29 = arith.addi %mul3A_2, %add3A_28 : i32
    %dma_start3A_30 = arith.constant 0 : i32
    %dma_start3A_31 = tpu.memref_slice %arg2[%add3A_29, %dma_start3A_30] : memref<16384x512xf32, #tpu.memory_space<hbm>> -> memref<64x512xf32, #tpu.memory_space<hbm>>
    %dma_start3A_32 = arith.constant 0 : i32
    %dma_start3A_33 = tpu.memref_slice %arg2[%add3A_29, %dma_start3A_32] : memref<16384x512xf32, #tpu.memory_space<hbm>> -> memref<64x512xf32, #tpu.memory_space<hbm>>
    tpu.enqueue_dma source(%dma_start3A_33 : memref<64x512xf32, #tpu.memory_space<hbm>>) target(%arg6 : memref<64x512xf32, #tpu.memory_space<vmem>>) target_semaphore(%arg9 : memref<!tpu.dma_semaphore, #tpu.memory_space<semaphore_mem>>)
    %dma_wait3A_34 = arith.constant 0 : i32
    %dma_wait3A_35 = tpu.memref_slice %arg2[%add3A_9, %dma_wait3A_34] : memref<16384x512xf32, #tpu.memory_space<hbm>> -> memref<64x512xf32, #tpu.memory_space<hbm>>
    %dma_wait3A_36 = arith.constant 0 : i32
    %dma_wait3A_37 = tpu.memref_slice %arg2[%add3A_9, %dma_wait3A_36] : memref<16384x512xf32, #tpu.memory_space<hbm>> -> memref<64x512xf32, #tpu.memory_space<hbm>>
    tpu.wait_dma2 semaphore(%arg8 : memref<!tpu.dma_semaphore, #tpu.memory_space<semaphore_mem>>) src(%dma_wait3A_37 : memref<64x512xf32, #tpu.memory_space<hbm>>) dst(%arg5 : memref<64x512xf32, #tpu.memory_space<vmem>>)
    %scan3A_38 = arith.constant 0 : i32
    %scan3A_39 = arith.constant 0 : i32
    %scan3A_40 = arith.constant 64 : i32
    %scan3A_41 = arith.addi %scan3A_39, %scan3A_40 : i32
    %scan3A_42 = arith.constant 1 : i32
    scf.for %scan3A_208 = %scan3A_39 to %scan3A_41 step %scan3A_42  : i32 {
      %get3A = arith.index_cast %scan3A_208 : i32 to index
      %get3A_209 = arith.constant 0 : index
      %get3A_210 = tpu.vector_load %arg5[%get3A, %get3A_209] {strides = array<i32>} : memref<64x512xf32, #tpu.memory_space<vmem>>, vector<16xf32>,
      %get3A_211 = arith.index_cast %scan3A_208 : i32 to index
      %get3A_212 = arith.constant 16 : index
      %get3A_213 = tpu.vector_load %arg5[%get3A_211, %get3A_212] {strides = array<i32>} : memref<64x512xf32, #tpu.memory_space<vmem>>, vector<16xf32>,
      %get3A_214 = arith.index_cast %scan3A_208 : i32 to index
      %get3A_215 = arith.constant 32 : index
      %get3A_216 = tpu.vector_load %arg5[%get3A_214, %get3A_215] {strides = array<i32>} : memref<64x512xf32, #tpu.memory_space<vmem>>, vector<16xf32>,
      %get3A_217 = arith.index_cast %scan3A_208 : i32 to index
      %get3A_218 = arith.constant 48 : index
      %get3A_219 = tpu.vector_load %arg5[%get3A_217, %get3A_218] {strides = array<i32>} : memref<64x512xf32, #tpu.memory_space<vmem>>, vector<16xf32>,
      %reduce_max3A = arith.constant true
      %reduce_max3A_220 = vector.broadcast %reduce_max3A : i1 to vector<16xi1>
      %reduce_max3A_221 = tpu.scan <max>, %get3A_213 masked %reduce_max3A_220 : vector<16xf32>, vector<16xi1> -> vector<16xf32>
      %reduce_max3A_222 = vector.extract %reduce_max3A_221[15] : f32 from vector<16xf32>
      %eq3A = vector.broadcast %reduce_max3A_222 : f32 to vector<16xf32>
      %eq3A_223 = arith.cmpf oeq, %get3A_213, %eq3A : vector<16xf32>
      %all_reduce_ffs3A = tpu.all_reduce %eq3A_223 {dim = 0 : i64, kind = #tpu.reduction_kind<find_first_set>} : vector<16xi1> -> vector<16xi32>
      %reduce_max3A_224 = arith.constant true
      %reduce_max3A_225 = vector.broadcast %reduce_max3A_224 : i1 to vector<16xi1>
      %reduce_max3A_226 = tpu.scan <max>, %get3A_216 masked %reduce_max3A_225 : vector<16xf32>, vector<16xi1> -> vector<16xf32>
      %reduce_max3A_227 = vector.extract %reduce_max3A_226[15] : f32 from vector<16xf32>
      %eq3A_228 = vector.broadcast %reduce_max3A_227 : f32 to vector<16xf32>
      %eq3A_229 = arith.cmpf oeq, %get3A_216, %eq3A_228 : vector<16xf32>
      %all_reduce_ffs3A_230 = tpu.all_reduce %eq3A_229 {dim = 0 : i64, kind = #tpu.reduction_kind<find_first_set>} : vector<16xi1> -> vector<16xi32>
      %mul3A_231 = arith.constant 16 : i32
      %mul3A_232 = vector.broadcast %mul3A_231 : i32 to vector<16xi32>
      %mul3A_233 = arith.muli %mul3A_232, %all_reduce_ffs3A_230 : vector<16xi32>
      %add3A_234 = arith.addi %all_reduce_ffs3A, %mul3A_233 : vector<16xi32>
      %reduce_max3A_235 = arith.constant true
      %reduce_max3A_236 = vector.broadcast %reduce_max3A_235 : i1 to vector<16xi1>
      %reduce_max3A_237 = tpu.scan <max>, %get3A_219 masked %reduce_max3A_236 : vector<16xf32>, vector<16xi1> -> vector<16xf32>
      %reduce_max3A_238 = vector.extract %reduce_max3A_237[15] : f32 from vector<16xf32>
      %eq3A_239 = vector.broadcast %reduce_max3A_238 : f32 to vector<16xf32>
      %eq3A_240 = arith.cmpf oeq, %get3A_219, %eq3A_239 : vector<16xf32>
      %all_reduce_ffs3A_241 = tpu.all_reduce %eq3A_240 {dim = 0 : i64, kind = #tpu.reduction_kind<find_first_set>} : vector<16xi1> -> vector<16xi32>
      %min3A = arith.constant 7 : i32
      %min3A_242 = vector.broadcast %min3A : i32 to vector<16xi32>
      %min3A_243 = arith.minsi %all_reduce_ffs3A_241, %min3A_242 : vector<16xi32>
      %add3A_244 = arith.constant 4 : i32
      %add3A_245 = vector.broadcast %add3A_244 : i32 to vector<16xi32>
      %add3A_246 = arith.addi %min3A_243, %add3A_245 : vector<16xi32>
      %shift_right_logical3A = arith.shrui %add3A_234, %add3A_246 : vector<16xi32>
      %gt3A = arith.constant 5.000000e-01 : f32
      %gt3A_247 = vector.broadcast %gt3A : f32 to vector<16xf32>
      %gt3A_248 = arith.cmpf ogt, %get3A_210, %gt3A_247 : vector<16xf32>
      %eq3A_249 = arith.constant 0 : i32
      %eq3A_250 = vector.broadcast %eq3A_249 : i32 to vector<16xi32>
      %eq3A_251 = arith.cmpi eq, %iota3A, %eq3A_250 : vector<16xi32>
      %and3A = arith.andi %gt3A_248, %eq3A_251 : vector<16xi1>
      %all_reduce_population_count3A = tpu.all_reduce %and3A {dim = 0 : i64, kind = #tpu.reduction_kind<sum>} : vector<16xi1> -> vector<16xi32>
      %gt3A_252 = arith.constant 0 : i32
      %gt3A_253 = vector.broadcast %gt3A_252 : i32 to vector<16xi32>
      %gt3A_254 = arith.cmpi sgt, %all_reduce_population_count3A, %gt3A_253 : vector<16xi32>
      %eq3A_255 = arith.constant 1 : i32
      %eq3A_256 = vector.broadcast %eq3A_255 : i32 to vector<16xi32>
      %eq3A_257 = arith.cmpi eq, %iota3A, %eq3A_256 : vector<16xi32>
      %and3A_258 = arith.andi %gt3A_248, %eq3A_257 : vector<16xi1>
      %all_reduce_population_count3A_259 = tpu.all_reduce %and3A_258 {dim = 0 : i64, kind = #tpu.reduction_kind<sum>} : vector<16xi1> -> vector<16xi32>
      %gt3A_260 = arith.constant 0 : i32
      %gt3A_261 = vector.broadcast %gt3A_260 : i32 to vector<16xi32>
      %gt3A_262 = arith.cmpi sgt, %all_reduce_population_count3A_259, %gt3A_261 : vector<16xi32>
      %eq3A_263 = arith.constant 2 : i32
      %eq3A_264 = vector.broadcast %eq3A_263 : i32 to vector<16xi32>
      %eq3A_265 = arith.cmpi eq, %iota3A, %eq3A_264 : vector<16xi32>
      %and3A_266 = arith.andi %gt3A_248, %eq3A_265 : vector<16xi1>
      %all_reduce_population_count3A_267 = tpu.all_reduce %and3A_266 {dim = 0 : i64, kind = #tpu.reduction_kind<sum>} : vector<16xi1> -> vector<16xi32>
      %gt3A_268 = arith.constant 0 : i32
      %gt3A_269 = vector.broadcast %gt3A_268 : i32 to vector<16xi32>
      %gt3A_270 = arith.cmpi sgt, %all_reduce_population_count3A_267, %gt3A_269 : vector<16xi32>
      %and3A_271 = arith.andi %gt3A_254, %gt3A_270 : vector<16xi1>
      %or3A = arith.ori %gt3A_254, %gt3A_262 : vector<16xi1>
      %and3A_272 = arith.andi %or3A, %gt3A_270 : vector<16xi1>
      %jit3A = arith.constant 0 : i32
      %broadcast_in_dim3A = vector.broadcast %jit3A : i32 to vector<16xi32>
      %select_n3A = arith.select %and3A_271, %broadcast_in_dim3A, %shift_right_logical3A : vector<16xi1>, vector<16xi32>
      %get3A_273 = arith.index_cast %scan3A_208 : i32 to index
      %get3A_274 = arith.constant 64 : index
      %get3A_275 = tpu.vector_load %arg5[%get3A_273, %get3A_274] {strides = array<i32>} : memref<64x512xf32, #tpu.memory_space<vmem>>, vector<16xf32>,
      %eq3A_276 = arith.constant 0 : i32
      %eq3A_277 = vector.broadcast %eq3A_276 : i32 to vector<16xi32>
      %eq3A_278 = arith.cmpi eq, %iota3A, %eq3A_277 : vector<16xi32>
      %and3A_279 = arith.andi %and3A_272, %eq3A_278 : vector<16xi1>
      %jit3A_280 = arith.constant 1.000000e+00 : f32
      %jit3A_281 = arith.constant 0.000000e+00 : f32
      %broadcast_in_dim3A_282 = vector.broadcast %jit3A_280 : f32 to vector<16xf32>
      %broadcast_in_dim3A_283 = vector.broadcast %jit3A_281 : f32 to vector<16xf32>
      %select_n3A_284 = arith.select %and3A_279, %broadcast_in_dim3A_282, %broadcast_in_dim3A_283 : vector<16xi1>, vector<16xf32>
      %add3A_285 = arith.addf %get3A_275, %select_n3A_284 : vector<16xf32>
      %swap3A = arith.index_cast %scan3A_208 : i32 to index
      %swap3A_286 = arith.constant 64 : index
      %swap3A_287 = tpu.vector_load %arg5[%swap3A, %swap3A_286] {strides = array<i32>} : memref<64x512xf32, #tpu.memory_space<vmem>>, vector<16xf32>,
      tpu.vector_store %arg5[%swap3A, %swap3A_286], %add3A_285 {strides = array<i32>} : memref<64x512xf32, #tpu.memory_space<vmem>>, vector<16xf32>,
      %get3A_288 = arith.index_cast %scan3A_208 : i32 to index
      %get3A_289 = arith.constant 80 : index
      %get3A_290 = tpu.vector_load %arg5[%get3A_288, %get3A_289] {strides = array<i32>} : memref<64x512xf32, #tpu.memory_space<vmem>>, vector<16xf32>,
      %eq3A_291 = arith.cmpi eq, %iota3A, %select_n3A : vector<16xi32>
      %and3A_292 = arith.andi %and3A_272, %eq3A_291 : vector<16xi1>
      %jit3A_293 = arith.constant 1.000000e+00 : f32
      %jit3A_294 = arith.constant 0.000000e+00 : f32
      %broadcast_in_dim3A_295 = vector.broadcast %jit3A_293 : f32 to vector<16xf32>
      %broadcast_in_dim3A_296 = vector.broadcast %jit3A_294 : f32 to vector<16xf32>
      %select_n3A_297 = arith.select %and3A_292, %broadcast_in_dim3A_295, %broadcast_in_dim3A_296 : vector<16xi1>, vector<16xf32>
      %add3A_298 = arith.addf %get3A_290, %select_n3A_297 : vector<16xf32>
      %swap3A_299 = arith.index_cast %scan3A_208 : i32 to index
      %swap3A_300 = arith.constant 80 : index
      %swap3A_301 = tpu.vector_load %arg5[%swap3A_299, %swap3A_300] {strides = array<i32>} : memref<64x512xf32, #tpu.memory_space<vmem>>, vector<16xf32>,
      tpu.vector_store %arg5[%swap3A_299, %swap3A_300], %add3A_298 {strides = array<i32>} : memref<64x512xf32, #tpu.memory_space<vmem>>, vector<16xf32>,
    }
    %scan3A_43 = arith.constant 64 : i32
    %add3A_44 = arith.constant 64 : i32
    %add3A_45 = arith.addi %mul3A_2, %add3A_44 : i32
    %dma_start3A_46 = arith.constant 0 : i32
    %dma_start3A_47 = tpu.memref_slice %arg3[%add3A_45, %dma_start3A_46] : memref<16384x512xf32, #tpu.memory_space<hbm>> -> memref<64x512xf32, #tpu.memory_space<hbm>>
    %dma_start3A_48 = arith.constant 0 : i32
    %dma_start3A_49 = tpu.memref_slice %arg3[%add3A_45, %dma_start3A_48] : memref<16384x512xf32, #tpu.memory_space<hbm>> -> memref<64x512xf32, #tpu.memory_space<hbm>>
    tpu.enqueue_dma source(%arg5 : memref<64x512xf32, #tpu.memory_space<vmem>>) target(%dma_start3A_49 : memref<64x512xf32, #tpu.memory_space<hbm>>) target_semaphore(%arg11 : memref<!tpu.dma_semaphore, #tpu.memory_space<semaphore_mem>>)
    %dma_wait3A_50 = arith.constant 0 : i32
    %dma_wait3A_51 = tpu.memref_slice %arg3[%add3A_23, %dma_wait3A_50] : memref<16384x512xf32, #tpu.memory_space<hbm>> -> memref<64x512xf32, #tpu.memory_space<hbm>>
    %dma_wait3A_52 = arith.constant 0 : i32
    %dma_wait3A_53 = tpu.memref_slice %arg3[%add3A_23, %dma_wait3A_52] : memref<16384x512xf32, #tpu.memory_space<hbm>> -> memref<64x512xf32, #tpu.memory_space<hbm>>
    tpu.wait_dma2 semaphore(%arg10 : memref<!tpu.dma_semaphore, #tpu.memory_space<semaphore_mem>>) src(%arg4 : memref<64x512xf32, #tpu.memory_space<vmem>>) dst(%dma_wait3A_53 : memref<64x512xf32, #tpu.memory_space<hbm>>)
    %add3A_54 = arith.constant 192 : i32
    %add3A_55 = arith.addi %mul3A_2, %add3A_54 : i32
    %dma_start3A_56 = arith.constant 0 : i32
    %dma_start3A_57 = tpu.memref_slice %arg2[%add3A_55, %dma_start3A_56] : memref<16384x512xf32, #tpu.memory_space<hbm>> -> memref<64x512xf32, #tpu.memory_space<hbm>>
    %dma_start3A_58 = arith.constant 0 : i32
    %dma_start3A_59 = tpu.memref_slice %arg2[%add3A_55, %dma_start3A_58] : memref<16384x512xf32, #tpu.memory_space<hbm>> -> memref<64x512xf32, #tpu.memory_space<hbm>>
    tpu.enqueue_dma source(%dma_start3A_59 : memref<64x512xf32, #tpu.memory_space<hbm>>) target(%arg4 : memref<64x512xf32, #tpu.memory_space<vmem>>) target_semaphore(%arg7 : memref<!tpu.dma_semaphore, #tpu.memory_space<semaphore_mem>>)
    %dma_wait3A_60 = arith.constant 0 : i32
    %dma_wait3A_61 = tpu.memref_slice %arg2[%add3A_29, %dma_wait3A_60] : memref<16384x512xf32, #tpu.memory_space<hbm>> -> memref<64x512xf32, #tpu.memory_space<hbm>>
    %dma_wait3A_62 = arith.constant 0 : i32
    %dma_wait3A_63 = tpu.memref_slice %arg2[%add3A_29, %dma_wait3A_62] : memref<16384x512xf32, #tpu.memory_space<hbm>> -> memref<64x512xf32, #tpu.memory_space<hbm>>
    tpu.wait_dma2 semaphore(%arg9 : memref<!tpu.dma_semaphore, #tpu.memory_space<semaphore_mem>>) src(%dma_wait3A_63 : memref<64x512xf32, #tpu.memory_space<hbm>>) dst(%arg6 : memref<64x512xf32, #tpu.memory_space<vmem>>)
    %scan3A_64 = arith.constant 0 : i32
    %scan3A_65 = arith.constant 0 : i32
    %scan3A_66 = arith.constant 64 : i32
    %scan3A_67 = arith.addi %scan3A_65, %scan3A_66 : i32
    %scan3A_68 = arith.constant 1 : i32
    scf.for %scan3A_208 = %scan3A_65 to %scan3A_67 step %scan3A_68  : i32 {
      %get3A = arith.index_cast %scan3A_208 : i32 to index
      %get3A_209 = arith.constant 0 : index
      %get3A_210 = tpu.vector_load %arg6[%get3A, %get3A_209] {strides = array<i32>} : memref<64x512xf32, #tpu.memory_space<vmem>>, vector<16xf32>,
      %get3A_211 = arith.index_cast %scan3A_208 : i32 to index
      %get3A_212 = arith.constant 16 : index
      %get3A_213 = tpu.vector_load %arg6[%get3A_211, %get3A_212] {strides = array<i32>} : memref<64x512xf32, #tpu.memory_space<vmem>>, vector<16xf32>,
      %get3A_214 = arith.index_cast %scan3A_208 : i32 to index
      %get3A_215 = arith.constant 32 : index
      %get3A_216 = tpu.vector_load %arg6[%get3A_214, %get3A_215] {strides = array<i32>} : memref<64x512xf32, #tpu.memory_space<vmem>>, vector<16xf32>,
      %get3A_217 = arith.index_cast %scan3A_208 : i32 to index
      %get3A_218 = arith.constant 48 : index
      %get3A_219 = tpu.vector_load %arg6[%get3A_217, %get3A_218] {strides = array<i32>} : memref<64x512xf32, #tpu.memory_space<vmem>>, vector<16xf32>,
      %reduce_max3A = arith.constant true
      %reduce_max3A_220 = vector.broadcast %reduce_max3A : i1 to vector<16xi1>
      %reduce_max3A_221 = tpu.scan <max>, %get3A_213 masked %reduce_max3A_220 : vector<16xf32>, vector<16xi1> -> vector<16xf32>
      %reduce_max3A_222 = vector.extract %reduce_max3A_221[15] : f32 from vector<16xf32>
      %eq3A = vector.broadcast %reduce_max3A_222 : f32 to vector<16xf32>
      %eq3A_223 = arith.cmpf oeq, %get3A_213, %eq3A : vector<16xf32>
      %all_reduce_ffs3A = tpu.all_reduce %eq3A_223 {dim = 0 : i64, kind = #tpu.reduction_kind<find_first_set>} : vector<16xi1> -> vector<16xi32>
      %reduce_max3A_224 = arith.constant true
      %reduce_max3A_225 = vector.broadcast %reduce_max3A_224 : i1 to vector<16xi1>
      %reduce_max3A_226 = tpu.scan <max>, %get3A_216 masked %reduce_max3A_225 : vector<16xf32>, vector<16xi1> -> vector<16xf32>
      %reduce_max3A_227 = vector.extract %reduce_max3A_226[15] : f32 from vector<16xf32>
      %eq3A_228 = vector.broadcast %reduce_max3A_227 : f32 to vector<16xf32>
      %eq3A_229 = arith.cmpf oeq, %get3A_216, %eq3A_228 : vector<16xf32>
      %all_reduce_ffs3A_230 = tpu.all_reduce %eq3A_229 {dim = 0 : i64, kind = #tpu.reduction_kind<find_first_set>} : vector<16xi1> -> vector<16xi32>
      %mul3A_231 = arith.constant 16 : i32
      %mul3A_232 = vector.broadcast %mul3A_231 : i32 to vector<16xi32>
      %mul3A_233 = arith.muli %mul3A_232, %all_reduce_ffs3A_230 : vector<16xi32>
      %add3A_234 = arith.addi %all_reduce_ffs3A, %mul3A_233 : vector<16xi32>
      %reduce_max3A_235 = arith.constant true
      %reduce_max3A_236 = vector.broadcast %reduce_max3A_235 : i1 to vector<16xi1>
      %reduce_max3A_237 = tpu.scan <max>, %get3A_219 masked %reduce_max3A_236 : vector<16xf32>, vector<16xi1> -> vector<16xf32>
      %reduce_max3A_238 = vector.extract %reduce_max3A_237[15] : f32 from vector<16xf32>
      %eq3A_239 = vector.broadcast %reduce_max3A_238 : f32 to vector<16xf32>
      %eq3A_240 = arith.cmpf oeq, %get3A_219, %eq3A_239 : vector<16xf32>
      %all_reduce_ffs3A_241 = tpu.all_reduce %eq3A_240 {dim = 0 : i64, kind = #tpu.reduction_kind<find_first_set>} : vector<16xi1> -> vector<16xi32>
      %min3A = arith.constant 7 : i32
      %min3A_242 = vector.broadcast %min3A : i32 to vector<16xi32>
      %min3A_243 = arith.minsi %all_reduce_ffs3A_241, %min3A_242 : vector<16xi32>
      %add3A_244 = arith.constant 4 : i32
      %add3A_245 = vector.broadcast %add3A_244 : i32 to vector<16xi32>
      %add3A_246 = arith.addi %min3A_243, %add3A_245 : vector<16xi32>
      %shift_right_logical3A = arith.shrui %add3A_234, %add3A_246 : vector<16xi32>
      %gt3A = arith.constant 5.000000e-01 : f32
      %gt3A_247 = vector.broadcast %gt3A : f32 to vector<16xf32>
      %gt3A_248 = arith.cmpf ogt, %get3A_210, %gt3A_247 : vector<16xf32>
      %eq3A_249 = arith.constant 0 : i32
      %eq3A_250 = vector.broadcast %eq3A_249 : i32 to vector<16xi32>
      %eq3A_251 = arith.cmpi eq, %iota3A, %eq3A_250 : vector<16xi32>
      %and3A = arith.andi %gt3A_248, %eq3A_251 : vector<16xi1>
      %all_reduce_population_count3A = tpu.all_reduce %and3A {dim = 0 : i64, kind = #tpu.reduction_kind<sum>} : vector<16xi1> -> vector<16xi32>
      %gt3A_252 = arith.constant 0 : i32
      %gt3A_253 = vector.broadcast %gt3A_252 : i32 to vector<16xi32>
      %gt3A_254 = arith.cmpi sgt, %all_reduce_population_count3A, %gt3A_253 : vector<16xi32>
      %eq3A_255 = arith.constant 1 : i32
      %eq3A_256 = vector.broadcast %eq3A_255 : i32 to vector<16xi32>
      %eq3A_257 = arith.cmpi eq, %iota3A, %eq3A_256 : vector<16xi32>
      %and3A_258 = arith.andi %gt3A_248, %eq3A_257 : vector<16xi1>
      %all_reduce_population_count3A_259 = tpu.all_reduce %and3A_258 {dim = 0 : i64, kind = #tpu.reduction_kind<sum>} : vector<16xi1> -> vector<16xi32>
      %gt3A_260 = arith.constant 0 : i32
      %gt3A_261 = vector.broadcast %gt3A_260 : i32 to vector<16xi32>
      %gt3A_262 = arith.cmpi sgt, %all_reduce_population_count3A_259, %gt3A_261 : vector<16xi32>
      %eq3A_263 = arith.constant 2 : i32
      %eq3A_264 = vector.broadcast %eq3A_263 : i32 to vector<16xi32>
      %eq3A_265 = arith.cmpi eq, %iota3A, %eq3A_264 : vector<16xi32>
      %and3A_266 = arith.andi %gt3A_248, %eq3A_265 : vector<16xi1>
      %all_reduce_population_count3A_267 = tpu.all_reduce %and3A_266 {dim = 0 : i64, kind = #tpu.reduction_kind<sum>} : vector<16xi1> -> vector<16xi32>
      %gt3A_268 = arith.constant 0 : i32
      %gt3A_269 = vector.broadcast %gt3A_268 : i32 to vector<16xi32>
      %gt3A_270 = arith.cmpi sgt, %all_reduce_population_count3A_267, %gt3A_269 : vector<16xi32>
      %and3A_271 = arith.andi %gt3A_254, %gt3A_270 : vector<16xi1>
      %or3A = arith.ori %gt3A_254, %gt3A_262 : vector<16xi1>
      %and3A_272 = arith.andi %or3A, %gt3A_270 : vector<16xi1>
      %jit3A = arith.constant 0 : i32
      %broadcast_in_dim3A = vector.broadcast %jit3A : i32 to vector<16xi32>
      %select_n3A = arith.select %and3A_271, %broadcast_in_dim3A, %shift_right_logical3A : vector<16xi1>, vector<16xi32>
      %get3A_273 = arith.index_cast %scan3A_208 : i32 to index
      %get3A_274 = arith.constant 64 : index
      %get3A_275 = tpu.vector_load %arg6[%get3A_273, %get3A_274] {strides = array<i32>} : memref<64x512xf32, #tpu.memory_space<vmem>>, vector<16xf32>,
      %eq3A_276 = arith.constant 0 : i32
      %eq3A_277 = vector.broadcast %eq3A_276 : i32 to vector<16xi32>
      %eq3A_278 = arith.cmpi eq, %iota3A, %eq3A_277 : vector<16xi32>
      %and3A_279 = arith.andi %and3A_272, %eq3A_278 : vector<16xi1>
      %jit3A_280 = arith.constant 1.000000e+00 : f32
      %jit3A_281 = arith.constant 0.000000e+00 : f32
      %broadcast_in_dim3A_282 = vector.broadcast %jit3A_280 : f32 to vector<16xf32>
      %broadcast_in_dim3A_283 = vector.broadcast %jit3A_281 : f32 to vector<16xf32>
      %select_n3A_284 = arith.select %and3A_279, %broadcast_in_dim3A_282, %broadcast_in_dim3A_283 : vector<16xi1>, vector<16xf32>
      %add3A_285 = arith.addf %get3A_275, %select_n3A_284 : vector<16xf32>
      %swap3A = arith.index_cast %scan3A_208 : i32 to index
      %swap3A_286 = arith.constant 64 : index
      %swap3A_287 = tpu.vector_load %arg6[%swap3A, %swap3A_286] {strides = array<i32>} : memref<64x512xf32, #tpu.memory_space<vmem>>, vector<16xf32>,
      tpu.vector_store %arg6[%swap3A, %swap3A_286], %add3A_285 {strides = array<i32>} : memref<64x512xf32, #tpu.memory_space<vmem>>, vector<16xf32>,
      %get3A_288 = arith.index_cast %scan3A_208 : i32 to index
      %get3A_289 = arith.constant 80 : index
      %get3A_290 = tpu.vector_load %arg6[%get3A_288, %get3A_289] {strides = array<i32>} : memref<64x512xf32, #tpu.memory_space<vmem>>, vector<16xf32>,
      %eq3A_291 = arith.cmpi eq, %iota3A, %select_n3A : vector<16xi32>
      %and3A_292 = arith.andi %and3A_272, %eq3A_291 : vector<16xi1>
      %jit3A_293 = arith.constant 1.000000e+00 : f32
      %jit3A_294 = arith.constant 0.000000e+00 : f32
      %broadcast_in_dim3A_295 = vector.broadcast %jit3A_293 : f32 to vector<16xf32>
      %broadcast_in_dim3A_296 = vector.broadcast %jit3A_294 : f32 to vector<16xf32>
      %select_n3A_297 = arith.select %and3A_292, %broadcast_in_dim3A_295, %broadcast_in_dim3A_296 : vector<16xi1>, vector<16xf32>
      %add3A_298 = arith.addf %get3A_290, %select_n3A_297 : vector<16xf32>
      %swap3A_299 = arith.index_cast %scan3A_208 : i32 to index
      %swap3A_300 = arith.constant 80 : index
      %swap3A_301 = tpu.vector_load %arg6[%swap3A_299, %swap3A_300] {strides = array<i32>} : memref<64x512xf32, #tpu.memory_space<vmem>>, vector<16xf32>,
      tpu.vector_store %arg6[%swap3A_299, %swap3A_300], %add3A_298 {strides = array<i32>} : memref<64x512xf32, #tpu.memory_space<vmem>>, vector<16xf32>,
    }
    %scan3A_69 = arith.constant 64 : i32
    %add3A_70 = arith.constant 128 : i32
    %add3A_71 = arith.addi %mul3A_2, %add3A_70 : i32
    %dma_start3A_72 = arith.constant 0 : i32
    %dma_start3A_73 = tpu.memref_slice %arg3[%add3A_71, %dma_start3A_72] : memref<16384x512xf32, #tpu.memory_space<hbm>> -> memref<64x512xf32, #tpu.memory_space<hbm>>
    %dma_start3A_74 = arith.constant 0 : i32
    %dma_start3A_75 = tpu.memref_slice %arg3[%add3A_71, %dma_start3A_74] : memref<16384x512xf32, #tpu.memory_space<hbm>> -> memref<64x512xf32, #tpu.memory_space<hbm>>
    tpu.enqueue_dma source(%arg6 : memref<64x512xf32, #tpu.memory_space<vmem>>) target(%dma_start3A_75 : memref<64x512xf32, #tpu.memory_space<hbm>>) target_semaphore(%arg12 : memref<!tpu.dma_semaphore, #tpu.memory_space<semaphore_mem>>)
    %dma_wait3A_76 = arith.constant 0 : i32
    %dma_wait3A_77 = tpu.memref_slice %arg3[%add3A_45, %dma_wait3A_76] : memref<16384x512xf32, #tpu.memory_space<hbm>> -> memref<64x512xf32, #tpu.memory_space<hbm>>
    %dma_wait3A_78 = arith.constant 0 : i32
    %dma_wait3A_79 = tpu.memref_slice %arg3[%add3A_45, %dma_wait3A_78] : memref<16384x512xf32, #tpu.memory_space<hbm>> -> memref<64x512xf32, #tpu.memory_space<hbm>>
    tpu.wait_dma2 semaphore(%arg11 : memref<!tpu.dma_semaphore, #tpu.memory_space<semaphore_mem>>) src(%arg5 : memref<64x512xf32, #tpu.memory_space<vmem>>) dst(%dma_wait3A_79 : memref<64x512xf32, #tpu.memory_space<hbm>>)
    %add3A_80 = arith.constant 256 : i32
    %add3A_81 = arith.addi %mul3A_2, %add3A_80 : i32
    %dma_start3A_82 = arith.constant 0 : i32
    %dma_start3A_83 = tpu.memref_slice %arg2[%add3A_81, %dma_start3A_82] : memref<16384x512xf32, #tpu.memory_space<hbm>> -> memref<64x512xf32, #tpu.memory_space<hbm>>
    %dma_start3A_84 = arith.constant 0 : i32
    %dma_start3A_85 = tpu.memref_slice %arg2[%add3A_81, %dma_start3A_84] : memref<16384x512xf32, #tpu.memory_space<hbm>> -> memref<64x512xf32, #tpu.memory_space<hbm>>
    tpu.enqueue_dma source(%dma_start3A_85 : memref<64x512xf32, #tpu.memory_space<hbm>>) target(%arg5 : memref<64x512xf32, #tpu.memory_space<vmem>>) target_semaphore(%arg8 : memref<!tpu.dma_semaphore, #tpu.memory_space<semaphore_mem>>)
    %dma_wait3A_86 = arith.constant 0 : i32
    %dma_wait3A_87 = tpu.memref_slice %arg2[%add3A_55, %dma_wait3A_86] : memref<16384x512xf32, #tpu.memory_space<hbm>> -> memref<64x512xf32, #tpu.memory_space<hbm>>
    %dma_wait3A_88 = arith.constant 0 : i32
    %dma_wait3A_89 = tpu.memref_slice %arg2[%add3A_55, %dma_wait3A_88] : memref<16384x512xf32, #tpu.memory_space<hbm>> -> memref<64x512xf32, #tpu.memory_space<hbm>>
    tpu.wait_dma2 semaphore(%arg7 : memref<!tpu.dma_semaphore, #tpu.memory_space<semaphore_mem>>) src(%dma_wait3A_89 : memref<64x512xf32, #tpu.memory_space<hbm>>) dst(%arg4 : memref<64x512xf32, #tpu.memory_space<vmem>>)
    %scan3A_90 = arith.constant 0 : i32
    %scan3A_91 = arith.constant 0 : i32
    %scan3A_92 = arith.constant 64 : i32
    %scan3A_93 = arith.addi %scan3A_91, %scan3A_92 : i32
    %scan3A_94 = arith.constant 1 : i32
    scf.for %scan3A_208 = %scan3A_91 to %scan3A_93 step %scan3A_94  : i32 {
      %get3A = arith.index_cast %scan3A_208 : i32 to index
      %get3A_209 = arith.constant 0 : index
      %get3A_210 = tpu.vector_load %arg4[%get3A, %get3A_209] {strides = array<i32>} : memref<64x512xf32, #tpu.memory_space<vmem>>, vector<16xf32>,
      %get3A_211 = arith.index_cast %scan3A_208 : i32 to index
      %get3A_212 = arith.constant 16 : index
      %get3A_213 = tpu.vector_load %arg4[%get3A_211, %get3A_212] {strides = array<i32>} : memref<64x512xf32, #tpu.memory_space<vmem>>, vector<16xf32>,
      %get3A_214 = arith.index_cast %scan3A_208 : i32 to index
      %get3A_215 = arith.constant 32 : index
      %get3A_216 = tpu.vector_load %arg4[%get3A_214, %get3A_215] {strides = array<i32>} : memref<64x512xf32, #tpu.memory_space<vmem>>, vector<16xf32>,
      %get3A_217 = arith.index_cast %scan3A_208 : i32 to index
      %get3A_218 = arith.constant 48 : index
      %get3A_219 = tpu.vector_load %arg4[%get3A_217, %get3A_218] {strides = array<i32>} : memref<64x512xf32, #tpu.memory_space<vmem>>, vector<16xf32>,
      %reduce_max3A = arith.constant true
      %reduce_max3A_220 = vector.broadcast %reduce_max3A : i1 to vector<16xi1>
      %reduce_max3A_221 = tpu.scan <max>, %get3A_213 masked %reduce_max3A_220 : vector<16xf32>, vector<16xi1> -> vector<16xf32>
      %reduce_max3A_222 = vector.extract %reduce_max3A_221[15] : f32 from vector<16xf32>
      %eq3A = vector.broadcast %reduce_max3A_222 : f32 to vector<16xf32>
      %eq3A_223 = arith.cmpf oeq, %get3A_213, %eq3A : vector<16xf32>
      %all_reduce_ffs3A = tpu.all_reduce %eq3A_223 {dim = 0 : i64, kind = #tpu.reduction_kind<find_first_set>} : vector<16xi1> -> vector<16xi32>
      %reduce_max3A_224 = arith.constant true
      %reduce_max3A_225 = vector.broadcast %reduce_max3A_224 : i1 to vector<16xi1>
      %reduce_max3A_226 = tpu.scan <max>, %get3A_216 masked %reduce_max3A_225 : vector<16xf32>, vector<16xi1> -> vector<16xf32>
      %reduce_max3A_227 = vector.extract %reduce_max3A_226[15] : f32 from vector<16xf32>
      %eq3A_228 = vector.broadcast %reduce_max3A_227 : f32 to vector<16xf32>
      %eq3A_229 = arith.cmpf oeq, %get3A_216, %eq3A_228 : vector<16xf32>
      %all_reduce_ffs3A_230 = tpu.all_reduce %eq3A_229 {dim = 0 : i64, kind = #tpu.reduction_kind<find_first_set>} : vector<16xi1> -> vector<16xi32>
      %mul3A_231 = arith.constant 16 : i32
      %mul3A_232 = vector.broadcast %mul3A_231 : i32 to vector<16xi32>
      %mul3A_233 = arith.muli %mul3A_232, %all_reduce_ffs3A_230 : vector<16xi32>
      %add3A_234 = arith.addi %all_reduce_ffs3A, %mul3A_233 : vector<16xi32>
      %reduce_max3A_235 = arith.constant true
      %reduce_max3A_236 = vector.broadcast %reduce_max3A_235 : i1 to vector<16xi1>
      %reduce_max3A_237 = tpu.scan <max>, %get3A_219 masked %reduce_max3A_236 : vector<16xf32>, vector<16xi1> -> vector<16xf32>
      %reduce_max3A_238 = vector.extract %reduce_max3A_237[15] : f32 from vector<16xf32>
      %eq3A_239 = vector.broadcast %reduce_max3A_238 : f32 to vector<16xf32>
      %eq3A_240 = arith.cmpf oeq, %get3A_219, %eq3A_239 : vector<16xf32>
      %all_reduce_ffs3A_241 = tpu.all_reduce %eq3A_240 {dim = 0 : i64, kind = #tpu.reduction_kind<find_first_set>} : vector<16xi1> -> vector<16xi32>
      %min3A = arith.constant 7 : i32
      %min3A_242 = vector.broadcast %min3A : i32 to vector<16xi32>
      %min3A_243 = arith.minsi %all_reduce_ffs3A_241, %min3A_242 : vector<16xi32>
      %add3A_244 = arith.constant 4 : i32
      %add3A_245 = vector.broadcast %add3A_244 : i32 to vector<16xi32>
      %add3A_246 = arith.addi %min3A_243, %add3A_245 : vector<16xi32>
      %shift_right_logical3A = arith.shrui %add3A_234, %add3A_246 : vector<16xi32>
      %gt3A = arith.constant 5.000000e-01 : f32
      %gt3A_247 = vector.broadcast %gt3A : f32 to vector<16xf32>
      %gt3A_248 = arith.cmpf ogt, %get3A_210, %gt3A_247 : vector<16xf32>
      %eq3A_249 = arith.constant 0 : i32
      %eq3A_250 = vector.broadcast %eq3A_249 : i32 to vector<16xi32>
      %eq3A_251 = arith.cmpi eq, %iota3A, %eq3A_250 : vector<16xi32>
      %and3A = arith.andi %gt3A_248, %eq3A_251 : vector<16xi1>
      %all_reduce_population_count3A = tpu.all_reduce %and3A {dim = 0 : i64, kind = #tpu.reduction_kind<sum>} : vector<16xi1> -> vector<16xi32>
      %gt3A_252 = arith.constant 0 : i32
      %gt3A_253 = vector.broadcast %gt3A_252 : i32 to vector<16xi32>
      %gt3A_254 = arith.cmpi sgt, %all_reduce_population_count3A, %gt3A_253 : vector<16xi32>
      %eq3A_255 = arith.constant 1 : i32
      %eq3A_256 = vector.broadcast %eq3A_255 : i32 to vector<16xi32>
      %eq3A_257 = arith.cmpi eq, %iota3A, %eq3A_256 : vector<16xi32>
      %and3A_258 = arith.andi %gt3A_248, %eq3A_257 : vector<16xi1>
      %all_reduce_population_count3A_259 = tpu.all_reduce %and3A_258 {dim = 0 : i64, kind = #tpu.reduction_kind<sum>} : vector<16xi1> -> vector<16xi32>
      %gt3A_260 = arith.constant 0 : i32
      %gt3A_261 = vector.broadcast %gt3A_260 : i32 to vector<16xi32>
      %gt3A_262 = arith.cmpi sgt, %all_reduce_population_count3A_259, %gt3A_261 : vector<16xi32>
      %eq3A_263 = arith.constant 2 : i32
      %eq3A_264 = vector.broadcast %eq3A_263 : i32 to vector<16xi32>
      %eq3A_265 = arith.cmpi eq, %iota3A, %eq3A_264 : vector<16xi32>
      %and3A_266 = arith.andi %gt3A_248, %eq3A_265 : vector<16xi1>
      %all_reduce_population_count3A_267 = tpu.all_reduce %and3A_266 {dim = 0 : i64, kind = #tpu.reduction_kind<sum>} : vector<16xi1> -> vector<16xi32>
      %gt3A_268 = arith.constant 0 : i32
      %gt3A_269 = vector.broadcast %gt3A_268 : i32 to vector<16xi32>
      %gt3A_270 = arith.cmpi sgt, %all_reduce_population_count3A_267, %gt3A_269 : vector<16xi32>
      %and3A_271 = arith.andi %gt3A_254, %gt3A_270 : vector<16xi1>
      %or3A = arith.ori %gt3A_254, %gt3A_262 : vector<16xi1>
      %and3A_272 = arith.andi %or3A, %gt3A_270 : vector<16xi1>
      %jit3A = arith.constant 0 : i32
      %broadcast_in_dim3A = vector.broadcast %jit3A : i32 to vector<16xi32>
      %select_n3A = arith.select %and3A_271, %broadcast_in_dim3A, %shift_right_logical3A : vector<16xi1>, vector<16xi32>
      %get3A_273 = arith.index_cast %scan3A_208 : i32 to index
      %get3A_274 = arith.constant 64 : index
      %get3A_275 = tpu.vector_load %arg4[%get3A_273, %get3A_274] {strides = array<i32>} : memref<64x512xf32, #tpu.memory_space<vmem>>, vector<16xf32>,
      %eq3A_276 = arith.constant 0 : i32
      %eq3A_277 = vector.broadcast %eq3A_276 : i32 to vector<16xi32>
      %eq3A_278 = arith.cmpi eq, %iota3A, %eq3A_277 : vector<16xi32>
      %and3A_279 = arith.andi %and3A_272, %eq3A_278 : vector<16xi1>
      %jit3A_280 = arith.constant 1.000000e+00 : f32
      %jit3A_281 = arith.constant 0.000000e+00 : f32
      %broadcast_in_dim3A_282 = vector.broadcast %jit3A_280 : f32 to vector<16xf32>
      %broadcast_in_dim3A_283 = vector.broadcast %jit3A_281 : f32 to vector<16xf32>
      %select_n3A_284 = arith.select %and3A_279, %broadcast_in_dim3A_282, %broadcast_in_dim3A_283 : vector<16xi1>, vector<16xf32>
      %add3A_285 = arith.addf %get3A_275, %select_n3A_284 : vector<16xf32>
      %swap3A = arith.index_cast %scan3A_208 : i32 to index
      %swap3A_286 = arith.constant 64 : index
      %swap3A_287 = tpu.vector_load %arg4[%swap3A, %swap3A_286] {strides = array<i32>} : memref<64x512xf32, #tpu.memory_space<vmem>>, vector<16xf32>,
      tpu.vector_store %arg4[%swap3A, %swap3A_286], %add3A_285 {strides = array<i32>} : memref<64x512xf32, #tpu.memory_space<vmem>>, vector<16xf32>,
      %get3A_288 = arith.index_cast %scan3A_208 : i32 to index
      %get3A_289 = arith.constant 80 : index
      %get3A_290 = tpu.vector_load %arg4[%get3A_288, %get3A_289] {strides = array<i32>} : memref<64x512xf32, #tpu.memory_space<vmem>>, vector<16xf32>,
      %eq3A_291 = arith.cmpi eq, %iota3A, %select_n3A : vector<16xi32>
      %and3A_292 = arith.andi %and3A_272, %eq3A_291 : vector<16xi1>
      %jit3A_293 = arith.constant 1.000000e+00 : f32
      %jit3A_294 = arith.constant 0.000000e+00 : f32
      %broadcast_in_dim3A_295 = vector.broadcast %jit3A_293 : f32 to vector<16xf32>
      %broadcast_in_dim3A_296 = vector.broadcast %jit3A_294 : f32 to vector<16xf32>
      %select_n3A_297 = arith.select %and3A_292, %broadcast_in_dim3A_295, %broadcast_in_dim3A_296 : vector<16xi1>, vector<16xf32>
      %add3A_298 = arith.addf %get3A_290, %select_n3A_297 : vector<16xf32>
      %swap3A_299 = arith.index_cast %scan3A_208 : i32 to index
      %swap3A_300 = arith.constant 80 : index
      %swap3A_301 = tpu.vector_load %arg4[%swap3A_299, %swap3A_300] {strides = array<i32>} : memref<64x512xf32, #tpu.memory_space<vmem>>, vector<16xf32>,
      tpu.vector_store %arg4[%swap3A_299, %swap3A_300], %add3A_298 {strides = array<i32>} : memref<64x512xf32, #tpu.memory_space<vmem>>, vector<16xf32>,
    }
    %scan3A_95 = arith.constant 64 : i32
    %add3A_96 = arith.constant 192 : i32
    %add3A_97 = arith.addi %mul3A_2, %add3A_96 : i32
    %dma_start3A_98 = arith.constant 0 : i32
    %dma_start3A_99 = tpu.memref_slice %arg3[%add3A_97, %dma_start3A_98] : memref<16384x512xf32, #tpu.memory_space<hbm>> -> memref<64x512xf32, #tpu.memory_space<hbm>>
    %dma_start3A_100 = arith.constant 0 : i32
    %dma_start3A_101 = tpu.memref_slice %arg3[%add3A_97, %dma_start3A_100] : memref<16384x512xf32, #tpu.memory_space<hbm>> -> memref<64x512xf32, #tpu.memory_space<hbm>>
    tpu.enqueue_dma source(%arg4 : memref<64x512xf32, #tpu.memory_space<vmem>>) target(%dma_start3A_101 : memref<64x512xf32, #tpu.memory_space<hbm>>) target_semaphore(%arg10 : memref<!tpu.dma_semaphore, #tpu.memory_space<semaphore_mem>>)
    %dma_wait3A_102 = arith.constant 0 : i32
    %dma_wait3A_103 = tpu.memref_slice %arg3[%add3A_71, %dma_wait3A_102] : memref<16384x512xf32, #tpu.memory_space<hbm>> -> memref<64x512xf32, #tpu.memory_space<hbm>>
    %dma_wait3A_104 = arith.constant 0 : i32
    %dma_wait3A_105 = tpu.memref_slice %arg3[%add3A_71, %dma_wait3A_104] : memref<16384x512xf32, #tpu.memory_space<hbm>> -> memref<64x512xf32, #tpu.memory_space<hbm>>
    tpu.wait_dma2 semaphore(%arg12 : memref<!tpu.dma_semaphore, #tpu.memory_space<semaphore_mem>>) src(%arg6 : memref<64x512xf32, #tpu.memory_space<vmem>>) dst(%dma_wait3A_105 : memref<64x512xf32, #tpu.memory_space<hbm>>)
    %add3A_106 = arith.constant 320 : i32
    %add3A_107 = arith.addi %mul3A_2, %add3A_106 : i32
    %dma_start3A_108 = arith.constant 0 : i32
    %dma_start3A_109 = tpu.memref_slice %arg2[%add3A_107, %dma_start3A_108] : memref<16384x512xf32, #tpu.memory_space<hbm>> -> memref<64x512xf32, #tpu.memory_space<hbm>>
    %dma_start3A_110 = arith.constant 0 : i32
    %dma_start3A_111 = tpu.memref_slice %arg2[%add3A_107, %dma_start3A_110] : memref<16384x512xf32, #tpu.memory_space<hbm>> -> memref<64x512xf32, #tpu.memory_space<hbm>>
    tpu.enqueue_dma source(%dma_start3A_111 : memref<64x512xf32, #tpu.memory_space<hbm>>) target(%arg6 : memref<64x512xf32, #tpu.memory_space<vmem>>) target_semaphore(%arg9 : memref<!tpu.dma_semaphore, #tpu.memory_space<semaphore_mem>>)
    %dma_wait3A_112 = arith.constant 0 : i32
    %dma_wait3A_113 = tpu.memref_slice %arg2[%add3A_81, %dma_wait3A_112] : memref<16384x512xf32, #tpu.memory_space<hbm>> -> memref<64x512xf32, #tpu.memory_space<hbm>>
    %dma_wait3A_114 = arith.constant 0 : i32
    %dma_wait3A_115 = tpu.memref_slice %arg2[%add3A_81, %dma_wait3A_114] : memref<16384x512xf32, #tpu.memory_space<hbm>> -> memref<64x512xf32, #tpu.memory_space<hbm>>
    tpu.wait_dma2 semaphore(%arg8 : memref<!tpu.dma_semaphore, #tpu.memory_space<semaphore_mem>>) src(%dma_wait3A_115 : memref<64x512xf32, #tpu.memory_space<hbm>>) dst(%arg5 : memref<64x512xf32, #tpu.memory_space<vmem>>)
    %scan3A_116 = arith.constant 0 : i32
    %scan3A_117 = arith.constant 0 : i32
    %scan3A_118 = arith.constant 64 : i32
    %scan3A_119 = arith.addi %scan3A_117, %scan3A_118 : i32
    %scan3A_120 = arith.constant 1 : i32
    scf.for %scan3A_208 = %scan3A_117 to %scan3A_119 step %scan3A_120  : i32 {
      %get3A = arith.index_cast %scan3A_208 : i32 to index
      %get3A_209 = arith.constant 0 : index
      %get3A_210 = tpu.vector_load %arg5[%get3A, %get3A_209] {strides = array<i32>} : memref<64x512xf32, #tpu.memory_space<vmem>>, vector<16xf32>,
      %get3A_211 = arith.index_cast %scan3A_208 : i32 to index
      %get3A_212 = arith.constant 16 : index
      %get3A_213 = tpu.vector_load %arg5[%get3A_211, %get3A_212] {strides = array<i32>} : memref<64x512xf32, #tpu.memory_space<vmem>>, vector<16xf32>,
      %get3A_214 = arith.index_cast %scan3A_208 : i32 to index
      %get3A_215 = arith.constant 32 : index
      %get3A_216 = tpu.vector_load %arg5[%get3A_214, %get3A_215] {strides = array<i32>} : memref<64x512xf32, #tpu.memory_space<vmem>>, vector<16xf32>,
      %get3A_217 = arith.index_cast %scan3A_208 : i32 to index
      %get3A_218 = arith.constant 48 : index
      %get3A_219 = tpu.vector_load %arg5[%get3A_217, %get3A_218] {strides = array<i32>} : memref<64x512xf32, #tpu.memory_space<vmem>>, vector<16xf32>,
      %reduce_max3A = arith.constant true
      %reduce_max3A_220 = vector.broadcast %reduce_max3A : i1 to vector<16xi1>
      %reduce_max3A_221 = tpu.scan <max>, %get3A_213 masked %reduce_max3A_220 : vector<16xf32>, vector<16xi1> -> vector<16xf32>
      %reduce_max3A_222 = vector.extract %reduce_max3A_221[15] : f32 from vector<16xf32>
      %eq3A = vector.broadcast %reduce_max3A_222 : f32 to vector<16xf32>
      %eq3A_223 = arith.cmpf oeq, %get3A_213, %eq3A : vector<16xf32>
      %all_reduce_ffs3A = tpu.all_reduce %eq3A_223 {dim = 0 : i64, kind = #tpu.reduction_kind<find_first_set>} : vector<16xi1> -> vector<16xi32>
      %reduce_max3A_224 = arith.constant true
      %reduce_max3A_225 = vector.broadcast %reduce_max3A_224 : i1 to vector<16xi1>
      %reduce_max3A_226 = tpu.scan <max>, %get3A_216 masked %reduce_max3A_225 : vector<16xf32>, vector<16xi1> -> vector<16xf32>
      %reduce_max3A_227 = vector.extract %reduce_max3A_226[15] : f32 from vector<16xf32>
      %eq3A_228 = vector.broadcast %reduce_max3A_227 : f32 to vector<16xf32>
      %eq3A_229 = arith.cmpf oeq, %get3A_216, %eq3A_228 : vector<16xf32>
      %all_reduce_ffs3A_230 = tpu.all_reduce %eq3A_229 {dim = 0 : i64, kind = #tpu.reduction_kind<find_first_set>} : vector<16xi1> -> vector<16xi32>
      %mul3A_231 = arith.constant 16 : i32
      %mul3A_232 = vector.broadcast %mul3A_231 : i32 to vector<16xi32>
      %mul3A_233 = arith.muli %mul3A_232, %all_reduce_ffs3A_230 : vector<16xi32>
      %add3A_234 = arith.addi %all_reduce_ffs3A, %mul3A_233 : vector<16xi32>
      %reduce_max3A_235 = arith.constant true
      %reduce_max3A_236 = vector.broadcast %reduce_max3A_235 : i1 to vector<16xi1>
      %reduce_max3A_237 = tpu.scan <max>, %get3A_219 masked %reduce_max3A_236 : vector<16xf32>, vector<16xi1> -> vector<16xf32>
      %reduce_max3A_238 = vector.extract %reduce_max3A_237[15] : f32 from vector<16xf32>
      %eq3A_239 = vector.broadcast %reduce_max3A_238 : f32 to vector<16xf32>
      %eq3A_240 = arith.cmpf oeq, %get3A_219, %eq3A_239 : vector<16xf32>
      %all_reduce_ffs3A_241 = tpu.all_reduce %eq3A_240 {dim = 0 : i64, kind = #tpu.reduction_kind<find_first_set>} : vector<16xi1> -> vector<16xi32>
      %min3A = arith.constant 7 : i32
      %min3A_242 = vector.broadcast %min3A : i32 to vector<16xi32>
      %min3A_243 = arith.minsi %all_reduce_ffs3A_241, %min3A_242 : vector<16xi32>
      %add3A_244 = arith.constant 4 : i32
      %add3A_245 = vector.broadcast %add3A_244 : i32 to vector<16xi32>
      %add3A_246 = arith.addi %min3A_243, %add3A_245 : vector<16xi32>
      %shift_right_logical3A = arith.shrui %add3A_234, %add3A_246 : vector<16xi32>
      %gt3A = arith.constant 5.000000e-01 : f32
      %gt3A_247 = vector.broadcast %gt3A : f32 to vector<16xf32>
      %gt3A_248 = arith.cmpf ogt, %get3A_210, %gt3A_247 : vector<16xf32>
      %eq3A_249 = arith.constant 0 : i32
      %eq3A_250 = vector.broadcast %eq3A_249 : i32 to vector<16xi32>
      %eq3A_251 = arith.cmpi eq, %iota3A, %eq3A_250 : vector<16xi32>
      %and3A = arith.andi %gt3A_248, %eq3A_251 : vector<16xi1>
      %all_reduce_population_count3A = tpu.all_reduce %and3A {dim = 0 : i64, kind = #tpu.reduction_kind<sum>} : vector<16xi1> -> vector<16xi32>
      %gt3A_252 = arith.constant 0 : i32
      %gt3A_253 = vector.broadcast %gt3A_252 : i32 to vector<16xi32>
      %gt3A_254 = arith.cmpi sgt, %all_reduce_population_count3A, %gt3A_253 : vector<16xi32>
      %eq3A_255 = arith.constant 1 : i32
      %eq3A_256 = vector.broadcast %eq3A_255 : i32 to vector<16xi32>
      %eq3A_257 = arith.cmpi eq, %iota3A, %eq3A_256 : vector<16xi32>
      %and3A_258 = arith.andi %gt3A_248, %eq3A_257 : vector<16xi1>
      %all_reduce_population_count3A_259 = tpu.all_reduce %and3A_258 {dim = 0 : i64, kind = #tpu.reduction_kind<sum>} : vector<16xi1> -> vector<16xi32>
      %gt3A_260 = arith.constant 0 : i32
      %gt3A_261 = vector.broadcast %gt3A_260 : i32 to vector<16xi32>
      %gt3A_262 = arith.cmpi sgt, %all_reduce_population_count3A_259, %gt3A_261 : vector<16xi32>
      %eq3A_263 = arith.constant 2 : i32
      %eq3A_264 = vector.broadcast %eq3A_263 : i32 to vector<16xi32>
      %eq3A_265 = arith.cmpi eq, %iota3A, %eq3A_264 : vector<16xi32>
      %and3A_266 = arith.andi %gt3A_248, %eq3A_265 : vector<16xi1>
      %all_reduce_population_count3A_267 = tpu.all_reduce %and3A_266 {dim = 0 : i64, kind = #tpu.reduction_kind<sum>} : vector<16xi1> -> vector<16xi32>
      %gt3A_268 = arith.constant 0 : i32
      %gt3A_269 = vector.broadcast %gt3A_268 : i32 to vector<16xi32>
      %gt3A_270 = arith.cmpi sgt, %all_reduce_population_count3A_267, %gt3A_269 : vector<16xi32>
      %and3A_271 = arith.andi %gt3A_254, %gt3A_270 : vector<16xi1>
      %or3A = arith.ori %gt3A_254, %gt3A_262 : vector<16xi1>
      %and3A_272 = arith.andi %or3A, %gt3A_270 : vector<16xi1>
      %jit3A = arith.constant 0 : i32
      %broadcast_in_dim3A = vector.broadcast %jit3A : i32 to vector<16xi32>
      %select_n3A = arith.select %and3A_271, %broadcast_in_dim3A, %shift_right_logical3A : vector<16xi1>, vector<16xi32>
      %get3A_273 = arith.index_cast %scan3A_208 : i32 to index
      %get3A_274 = arith.constant 64 : index
      %get3A_275 = tpu.vector_load %arg5[%get3A_273, %get3A_274] {strides = array<i32>} : memref<64x512xf32, #tpu.memory_space<vmem>>, vector<16xf32>,
      %eq3A_276 = arith.constant 0 : i32
      %eq3A_277 = vector.broadcast %eq3A_276 : i32 to vector<16xi32>
      %eq3A_278 = arith.cmpi eq, %iota3A, %eq3A_277 : vector<16xi32>
      %and3A_279 = arith.andi %and3A_272, %eq3A_278 : vector<16xi1>
      %jit3A_280 = arith.constant 1.000000e+00 : f32
      %jit3A_281 = arith.constant 0.000000e+00 : f32
      %broadcast_in_dim3A_282 = vector.broadcast %jit3A_280 : f32 to vector<16xf32>
      %broadcast_in_dim3A_283 = vector.broadcast %jit3A_281 : f32 to vector<16xf32>
      %select_n3A_284 = arith.select %and3A_279, %broadcast_in_dim3A_282, %broadcast_in_dim3A_283 : vector<16xi1>, vector<16xf32>
      %add3A_285 = arith.addf %get3A_275, %select_n3A_284 : vector<16xf32>
      %swap3A = arith.index_cast %scan3A_208 : i32 to index
      %swap3A_286 = arith.constant 64 : index
      %swap3A_287 = tpu.vector_load %arg5[%swap3A, %swap3A_286] {strides = array<i32>} : memref<64x512xf32, #tpu.memory_space<vmem>>, vector<16xf32>,
      tpu.vector_store %arg5[%swap3A, %swap3A_286], %add3A_285 {strides = array<i32>} : memref<64x512xf32, #tpu.memory_space<vmem>>, vector<16xf32>,
      %get3A_288 = arith.index_cast %scan3A_208 : i32 to index
      %get3A_289 = arith.constant 80 : index
      %get3A_290 = tpu.vector_load %arg5[%get3A_288, %get3A_289] {strides = array<i32>} : memref<64x512xf32, #tpu.memory_space<vmem>>, vector<16xf32>,
      %eq3A_291 = arith.cmpi eq, %iota3A, %select_n3A : vector<16xi32>
      %and3A_292 = arith.andi %and3A_272, %eq3A_291 : vector<16xi1>
      %jit3A_293 = arith.constant 1.000000e+00 : f32
      %jit3A_294 = arith.constant 0.000000e+00 : f32
      %broadcast_in_dim3A_295 = vector.broadcast %jit3A_293 : f32 to vector<16xf32>
      %broadcast_in_dim3A_296 = vector.broadcast %jit3A_294 : f32 to vector<16xf32>
      %select_n3A_297 = arith.select %and3A_292, %broadcast_in_dim3A_295, %broadcast_in_dim3A_296 : vector<16xi1>, vector<16xf32>
      %add3A_298 = arith.addf %get3A_290, %select_n3A_297 : vector<16xf32>
      %swap3A_299 = arith.index_cast %scan3A_208 : i32 to index
      %swap3A_300 = arith.constant 80 : index
      %swap3A_301 = tpu.vector_load %arg5[%swap3A_299, %swap3A_300] {strides = array<i32>} : memref<64x512xf32, #tpu.memory_space<vmem>>, vector<16xf32>,
      tpu.vector_store %arg5[%swap3A_299, %swap3A_300], %add3A_298 {strides = array<i32>} : memref<64x512xf32, #tpu.memory_space<vmem>>, vector<16xf32>,
    }
    %scan3A_121 = arith.constant 64 : i32
    %add3A_122 = arith.constant 256 : i32
    %add3A_123 = arith.addi %mul3A_2, %add3A_122 : i32
    %dma_start3A_124 = arith.constant 0 : i32
    %dma_start3A_125 = tpu.memref_slice %arg3[%add3A_123, %dma_start3A_124] : memref<16384x512xf32, #tpu.memory_space<hbm>> -> memref<64x512xf32, #tpu.memory_space<hbm>>
    %dma_start3A_126 = arith.constant 0 : i32
    %dma_start3A_127 = tpu.memref_slice %arg3[%add3A_123, %dma_start3A_126] : memref<16384x512xf32, #tpu.memory_space<hbm>> -> memref<64x512xf32, #tpu.memory_space<hbm>>
    tpu.enqueue_dma source(%arg5 : memref<64x512xf32, #tpu.memory_space<vmem>>) target(%dma_start3A_127 : memref<64x512xf32, #tpu.memory_space<hbm>>) target_semaphore(%arg11 : memref<!tpu.dma_semaphore, #tpu.memory_space<semaphore_mem>>)
    %dma_wait3A_128 = arith.constant 0 : i32
    %dma_wait3A_129 = tpu.memref_slice %arg3[%add3A_97, %dma_wait3A_128] : memref<16384x512xf32, #tpu.memory_space<hbm>> -> memref<64x512xf32, #tpu.memory_space<hbm>>
    %dma_wait3A_130 = arith.constant 0 : i32
    %dma_wait3A_131 = tpu.memref_slice %arg3[%add3A_97, %dma_wait3A_130] : memref<16384x512xf32, #tpu.memory_space<hbm>> -> memref<64x512xf32, #tpu.memory_space<hbm>>
    tpu.wait_dma2 semaphore(%arg10 : memref<!tpu.dma_semaphore, #tpu.memory_space<semaphore_mem>>) src(%arg4 : memref<64x512xf32, #tpu.memory_space<vmem>>) dst(%dma_wait3A_131 : memref<64x512xf32, #tpu.memory_space<hbm>>)
    %add3A_132 = arith.constant 384 : i32
    %add3A_133 = arith.addi %mul3A_2, %add3A_132 : i32
    %dma_start3A_134 = arith.constant 0 : i32
    %dma_start3A_135 = tpu.memref_slice %arg2[%add3A_133, %dma_start3A_134] : memref<16384x512xf32, #tpu.memory_space<hbm>> -> memref<64x512xf32, #tpu.memory_space<hbm>>
    %dma_start3A_136 = arith.constant 0 : i32
    %dma_start3A_137 = tpu.memref_slice %arg2[%add3A_133, %dma_start3A_136] : memref<16384x512xf32, #tpu.memory_space<hbm>> -> memref<64x512xf32, #tpu.memory_space<hbm>>
    tpu.enqueue_dma source(%dma_start3A_137 : memref<64x512xf32, #tpu.memory_space<hbm>>) target(%arg4 : memref<64x512xf32, #tpu.memory_space<vmem>>) target_semaphore(%arg7 : memref<!tpu.dma_semaphore, #tpu.memory_space<semaphore_mem>>)
    %dma_wait3A_138 = arith.constant 0 : i32
    %dma_wait3A_139 = tpu.memref_slice %arg2[%add3A_107, %dma_wait3A_138] : memref<16384x512xf32, #tpu.memory_space<hbm>> -> memref<64x512xf32, #tpu.memory_space<hbm>>
    %dma_wait3A_140 = arith.constant 0 : i32
    %dma_wait3A_141 = tpu.memref_slice %arg2[%add3A_107, %dma_wait3A_140] : memref<16384x512xf32, #tpu.memory_space<hbm>> -> memref<64x512xf32, #tpu.memory_space<hbm>>
    tpu.wait_dma2 semaphore(%arg9 : memref<!tpu.dma_semaphore, #tpu.memory_space<semaphore_mem>>) src(%dma_wait3A_141 : memref<64x512xf32, #tpu.memory_space<hbm>>) dst(%arg6 : memref<64x512xf32, #tpu.memory_space<vmem>>)
    %scan3A_142 = arith.constant 0 : i32
    %scan3A_143 = arith.constant 0 : i32
    %scan3A_144 = arith.constant 64 : i32
    %scan3A_145 = arith.addi %scan3A_143, %scan3A_144 : i32
    %scan3A_146 = arith.constant 1 : i32
    scf.for %scan3A_208 = %scan3A_143 to %scan3A_145 step %scan3A_146  : i32 {
      %get3A = arith.index_cast %scan3A_208 : i32 to index
      %get3A_209 = arith.constant 0 : index
      %get3A_210 = tpu.vector_load %arg6[%get3A, %get3A_209] {strides = array<i32>} : memref<64x512xf32, #tpu.memory_space<vmem>>, vector<16xf32>,
      %get3A_211 = arith.index_cast %scan3A_208 : i32 to index
      %get3A_212 = arith.constant 16 : index
      %get3A_213 = tpu.vector_load %arg6[%get3A_211, %get3A_212] {strides = array<i32>} : memref<64x512xf32, #tpu.memory_space<vmem>>, vector<16xf32>,
      %get3A_214 = arith.index_cast %scan3A_208 : i32 to index
      %get3A_215 = arith.constant 32 : index
      %get3A_216 = tpu.vector_load %arg6[%get3A_214, %get3A_215] {strides = array<i32>} : memref<64x512xf32, #tpu.memory_space<vmem>>, vector<16xf32>,
      %get3A_217 = arith.index_cast %scan3A_208 : i32 to index
      %get3A_218 = arith.constant 48 : index
      %get3A_219 = tpu.vector_load %arg6[%get3A_217, %get3A_218] {strides = array<i32>} : memref<64x512xf32, #tpu.memory_space<vmem>>, vector<16xf32>,
      %reduce_max3A = arith.constant true
      %reduce_max3A_220 = vector.broadcast %reduce_max3A : i1 to vector<16xi1>
      %reduce_max3A_221 = tpu.scan <max>, %get3A_213 masked %reduce_max3A_220 : vector<16xf32>, vector<16xi1> -> vector<16xf32>
      %reduce_max3A_222 = vector.extract %reduce_max3A_221[15] : f32 from vector<16xf32>
      %eq3A = vector.broadcast %reduce_max3A_222 : f32 to vector<16xf32>
      %eq3A_223 = arith.cmpf oeq, %get3A_213, %eq3A : vector<16xf32>
      %all_reduce_ffs3A = tpu.all_reduce %eq3A_223 {dim = 0 : i64, kind = #tpu.reduction_kind<find_first_set>} : vector<16xi1> -> vector<16xi32>
      %reduce_max3A_224 = arith.constant true
      %reduce_max3A_225 = vector.broadcast %reduce_max3A_224 : i1 to vector<16xi1>
      %reduce_max3A_226 = tpu.scan <max>, %get3A_216 masked %reduce_max3A_225 : vector<16xf32>, vector<16xi1> -> vector<16xf32>
      %reduce_max3A_227 = vector.extract %reduce_max3A_226[15] : f32 from vector<16xf32>
      %eq3A_228 = vector.broadcast %reduce_max3A_227 : f32 to vector<16xf32>
      %eq3A_229 = arith.cmpf oeq, %get3A_216, %eq3A_228 : vector<16xf32>
      %all_reduce_ffs3A_230 = tpu.all_reduce %eq3A_229 {dim = 0 : i64, kind = #tpu.reduction_kind<find_first_set>} : vector<16xi1> -> vector<16xi32>
      %mul3A_231 = arith.constant 16 : i32
      %mul3A_232 = vector.broadcast %mul3A_231 : i32 to vector<16xi32>
      %mul3A_233 = arith.muli %mul3A_232, %all_reduce_ffs3A_230 : vector<16xi32>
      %add3A_234 = arith.addi %all_reduce_ffs3A, %mul3A_233 : vector<16xi32>
      %reduce_max3A_235 = arith.constant true
      %reduce_max3A_236 = vector.broadcast %reduce_max3A_235 : i1 to vector<16xi1>
      %reduce_max3A_237 = tpu.scan <max>, %get3A_219 masked %reduce_max3A_236 : vector<16xf32>, vector<16xi1> -> vector<16xf32>
      %reduce_max3A_238 = vector.extract %reduce_max3A_237[15] : f32 from vector<16xf32>
      %eq3A_239 = vector.broadcast %reduce_max3A_238 : f32 to vector<16xf32>
      %eq3A_240 = arith.cmpf oeq, %get3A_219, %eq3A_239 : vector<16xf32>
      %all_reduce_ffs3A_241 = tpu.all_reduce %eq3A_240 {dim = 0 : i64, kind = #tpu.reduction_kind<find_first_set>} : vector<16xi1> -> vector<16xi32>
      %min3A = arith.constant 7 : i32
      %min3A_242 = vector.broadcast %min3A : i32 to vector<16xi32>
      %min3A_243 = arith.minsi %all_reduce_ffs3A_241, %min3A_242 : vector<16xi32>
      %add3A_244 = arith.constant 4 : i32
      %add3A_245 = vector.broadcast %add3A_244 : i32 to vector<16xi32>
      %add3A_246 = arith.addi %min3A_243, %add3A_245 : vector<16xi32>
      %shift_right_logical3A = arith.shrui %add3A_234, %add3A_246 : vector<16xi32>
      %gt3A = arith.constant 5.000000e-01 : f32
      %gt3A_247 = vector.broadcast %gt3A : f32 to vector<16xf32>
      %gt3A_248 = arith.cmpf ogt, %get3A_210, %gt3A_247 : vector<16xf32>
      %eq3A_249 = arith.constant 0 : i32
      %eq3A_250 = vector.broadcast %eq3A_249 : i32 to vector<16xi32>
      %eq3A_251 = arith.cmpi eq, %iota3A, %eq3A_250 : vector<16xi32>
      %and3A = arith.andi %gt3A_248, %eq3A_251 : vector<16xi1>
      %all_reduce_population_count3A = tpu.all_reduce %and3A {dim = 0 : i64, kind = #tpu.reduction_kind<sum>} : vector<16xi1> -> vector<16xi32>
      %gt3A_252 = arith.constant 0 : i32
      %gt3A_253 = vector.broadcast %gt3A_252 : i32 to vector<16xi32>
      %gt3A_254 = arith.cmpi sgt, %all_reduce_population_count3A, %gt3A_253 : vector<16xi32>
      %eq3A_255 = arith.constant 1 : i32
      %eq3A_256 = vector.broadcast %eq3A_255 : i32 to vector<16xi32>
      %eq3A_257 = arith.cmpi eq, %iota3A, %eq3A_256 : vector<16xi32>
      %and3A_258 = arith.andi %gt3A_248, %eq3A_257 : vector<16xi1>
      %all_reduce_population_count3A_259 = tpu.all_reduce %and3A_258 {dim = 0 : i64, kind = #tpu.reduction_kind<sum>} : vector<16xi1> -> vector<16xi32>
      %gt3A_260 = arith.constant 0 : i32
      %gt3A_261 = vector.broadcast %gt3A_260 : i32 to vector<16xi32>
      %gt3A_262 = arith.cmpi sgt, %all_reduce_population_count3A_259, %gt3A_261 : vector<16xi32>
      %eq3A_263 = arith.constant 2 : i32
      %eq3A_264 = vector.broadcast %eq3A_263 : i32 to vector<16xi32>
      %eq3A_265 = arith.cmpi eq, %iota3A, %eq3A_264 : vector<16xi32>
      %and3A_266 = arith.andi %gt3A_248, %eq3A_265 : vector<16xi1>
      %all_reduce_population_count3A_267 = tpu.all_reduce %and3A_266 {dim = 0 : i64, kind = #tpu.reduction_kind<sum>} : vector<16xi1> -> vector<16xi32>
      %gt3A_268 = arith.constant 0 : i32
      %gt3A_269 = vector.broadcast %gt3A_268 : i32 to vector<16xi32>
      %gt3A_270 = arith.cmpi sgt, %all_reduce_population_count3A_267, %gt3A_269 : vector<16xi32>
      %and3A_271 = arith.andi %gt3A_254, %gt3A_270 : vector<16xi1>
      %or3A = arith.ori %gt3A_254, %gt3A_262 : vector<16xi1>
      %and3A_272 = arith.andi %or3A, %gt3A_270 : vector<16xi1>
      %jit3A = arith.constant 0 : i32
      %broadcast_in_dim3A = vector.broadcast %jit3A : i32 to vector<16xi32>
      %select_n3A = arith.select %and3A_271, %broadcast_in_dim3A, %shift_right_logical3A : vector<16xi1>, vector<16xi32>
      %get3A_273 = arith.index_cast %scan3A_208 : i32 to index
      %get3A_274 = arith.constant 64 : index
      %get3A_275 = tpu.vector_load %arg6[%get3A_273, %get3A_274] {strides = array<i32>} : memref<64x512xf32, #tpu.memory_space<vmem>>, vector<16xf32>,
      %eq3A_276 = arith.constant 0 : i32
      %eq3A_277 = vector.broadcast %eq3A_276 : i32 to vector<16xi32>
      %eq3A_278 = arith.cmpi eq, %iota3A, %eq3A_277 : vector<16xi32>
      %and3A_279 = arith.andi %and3A_272, %eq3A_278 : vector<16xi1>
      %jit3A_280 = arith.constant 1.000000e+00 : f32
      %jit3A_281 = arith.constant 0.000000e+00 : f32
      %broadcast_in_dim3A_282 = vector.broadcast %jit3A_280 : f32 to vector<16xf32>
      %broadcast_in_dim3A_283 = vector.broadcast %jit3A_281 : f32 to vector<16xf32>
      %select_n3A_284 = arith.select %and3A_279, %broadcast_in_dim3A_282, %broadcast_in_dim3A_283 : vector<16xi1>, vector<16xf32>
      %add3A_285 = arith.addf %get3A_275, %select_n3A_284 : vector<16xf32>
      %swap3A = arith.index_cast %scan3A_208 : i32 to index
      %swap3A_286 = arith.constant 64 : index
      %swap3A_287 = tpu.vector_load %arg6[%swap3A, %swap3A_286] {strides = array<i32>} : memref<64x512xf32, #tpu.memory_space<vmem>>, vector<16xf32>,
      tpu.vector_store %arg6[%swap3A, %swap3A_286], %add3A_285 {strides = array<i32>} : memref<64x512xf32, #tpu.memory_space<vmem>>, vector<16xf32>,
      %get3A_288 = arith.index_cast %scan3A_208 : i32 to index
      %get3A_289 = arith.constant 80 : index
      %get3A_290 = tpu.vector_load %arg6[%get3A_288, %get3A_289] {strides = array<i32>} : memref<64x512xf32, #tpu.memory_space<vmem>>, vector<16xf32>,
      %eq3A_291 = arith.cmpi eq, %iota3A, %select_n3A : vector<16xi32>
      %and3A_292 = arith.andi %and3A_272, %eq3A_291 : vector<16xi1>
      %jit3A_293 = arith.constant 1.000000e+00 : f32
      %jit3A_294 = arith.constant 0.000000e+00 : f32
      %broadcast_in_dim3A_295 = vector.broadcast %jit3A_293 : f32 to vector<16xf32>
      %broadcast_in_dim3A_296 = vector.broadcast %jit3A_294 : f32 to vector<16xf32>
      %select_n3A_297 = arith.select %and3A_292, %broadcast_in_dim3A_295, %broadcast_in_dim3A_296 : vector<16xi1>, vector<16xf32>
      %add3A_298 = arith.addf %get3A_290, %select_n3A_297 : vector<16xf32>
      %swap3A_299 = arith.index_cast %scan3A_208 : i32 to index
      %swap3A_300 = arith.constant 80 : index
      %swap3A_301 = tpu.vector_load %arg6[%swap3A_299, %swap3A_300] {strides = array<i32>} : memref<64x512xf32, #tpu.memory_space<vmem>>, vector<16xf32>,
      tpu.vector_store %arg6[%swap3A_299, %swap3A_300], %add3A_298 {strides = array<i32>} : memref<64x512xf32, #tpu.memory_space<vmem>>, vector<16xf32>,
    }
    %scan3A_147 = arith.constant 64 : i32
    %add3A_148 = arith.constant 320 : i32
    %add3A_149 = arith.addi %mul3A_2, %add3A_148 : i32
    %dma_start3A_150 = arith.constant 0 : i32
    %dma_start3A_151 = tpu.memref_slice %arg3[%add3A_149, %dma_start3A_150] : memref<16384x512xf32, #tpu.memory_space<hbm>> -> memref<64x512xf32, #tpu.memory_space<hbm>>
    %dma_start3A_152 = arith.constant 0 : i32
    %dma_start3A_153 = tpu.memref_slice %arg3[%add3A_149, %dma_start3A_152] : memref<16384x512xf32, #tpu.memory_space<hbm>> -> memref<64x512xf32, #tpu.memory_space<hbm>>
    tpu.enqueue_dma source(%arg6 : memref<64x512xf32, #tpu.memory_space<vmem>>) target(%dma_start3A_153 : memref<64x512xf32, #tpu.memory_space<hbm>>) target_semaphore(%arg12 : memref<!tpu.dma_semaphore, #tpu.memory_space<semaphore_mem>>)
    %dma_wait3A_154 = arith.constant 0 : i32
    %dma_wait3A_155 = tpu.memref_slice %arg3[%add3A_123, %dma_wait3A_154] : memref<16384x512xf32, #tpu.memory_space<hbm>> -> memref<64x512xf32, #tpu.memory_space<hbm>>
    %dma_wait3A_156 = arith.constant 0 : i32
    %dma_wait3A_157 = tpu.memref_slice %arg3[%add3A_123, %dma_wait3A_156] : memref<16384x512xf32, #tpu.memory_space<hbm>> -> memref<64x512xf32, #tpu.memory_space<hbm>>
    tpu.wait_dma2 semaphore(%arg11 : memref<!tpu.dma_semaphore, #tpu.memory_space<semaphore_mem>>) src(%arg5 : memref<64x512xf32, #tpu.memory_space<vmem>>) dst(%dma_wait3A_157 : memref<64x512xf32, #tpu.memory_space<hbm>>)
    %add3A_158 = arith.constant 448 : i32
    %add3A_159 = arith.addi %mul3A_2, %add3A_158 : i32
    %dma_start3A_160 = arith.constant 0 : i32
    %dma_start3A_161 = tpu.memref_slice %arg2[%add3A_159, %dma_start3A_160] : memref<16384x512xf32, #tpu.memory_space<hbm>> -> memref<64x512xf32, #tpu.memory_space<hbm>>
    %dma_start3A_162 = arith.constant 0 : i32
    %dma_start3A_163 = tpu.memref_slice %arg2[%add3A_159, %dma_start3A_162] : memref<16384x512xf32, #tpu.memory_space<hbm>> -> memref<64x512xf32, #tpu.memory_space<hbm>>
    tpu.enqueue_dma source(%dma_start3A_163 : memref<64x512xf32, #tpu.memory_space<hbm>>) target(%arg5 : memref<64x512xf32, #tpu.memory_space<vmem>>) target_semaphore(%arg8 : memref<!tpu.dma_semaphore, #tpu.memory_space<semaphore_mem>>)
    %dma_wait3A_164 = arith.constant 0 : i32
    %dma_wait3A_165 = tpu.memref_slice %arg2[%add3A_133, %dma_wait3A_164] : memref<16384x512xf32, #tpu.memory_space<hbm>> -> memref<64x512xf32, #tpu.memory_space<hbm>>
    %dma_wait3A_166 = arith.constant 0 : i32
    %dma_wait3A_167 = tpu.memref_slice %arg2[%add3A_133, %dma_wait3A_166] : memref<16384x512xf32, #tpu.memory_space<hbm>> -> memref<64x512xf32, #tpu.memory_space<hbm>>
    tpu.wait_dma2 semaphore(%arg7 : memref<!tpu.dma_semaphore, #tpu.memory_space<semaphore_mem>>) src(%dma_wait3A_167 : memref<64x512xf32, #tpu.memory_space<hbm>>) dst(%arg4 : memref<64x512xf32, #tpu.memory_space<vmem>>)
    %scan3A_168 = arith.constant 0 : i32
    %scan3A_169 = arith.constant 0 : i32
    %scan3A_170 = arith.constant 64 : i32
    %scan3A_171 = arith.addi %scan3A_169, %scan3A_170 : i32
    %scan3A_172 = arith.constant 1 : i32
    scf.for %scan3A_208 = %scan3A_169 to %scan3A_171 step %scan3A_172  : i32 {
      %get3A = arith.index_cast %scan3A_208 : i32 to index
      %get3A_209 = arith.constant 0 : index
      %get3A_210 = tpu.vector_load %arg4[%get3A, %get3A_209] {strides = array<i32>} : memref<64x512xf32, #tpu.memory_space<vmem>>, vector<16xf32>,
      %get3A_211 = arith.index_cast %scan3A_208 : i32 to index
      %get3A_212 = arith.constant 16 : index
      %get3A_213 = tpu.vector_load %arg4[%get3A_211, %get3A_212] {strides = array<i32>} : memref<64x512xf32, #tpu.memory_space<vmem>>, vector<16xf32>,
      %get3A_214 = arith.index_cast %scan3A_208 : i32 to index
      %get3A_215 = arith.constant 32 : index
      %get3A_216 = tpu.vector_load %arg4[%get3A_214, %get3A_215] {strides = array<i32>} : memref<64x512xf32, #tpu.memory_space<vmem>>, vector<16xf32>,
      %get3A_217 = arith.index_cast %scan3A_208 : i32 to index
      %get3A_218 = arith.constant 48 : index
      %get3A_219 = tpu.vector_load %arg4[%get3A_217, %get3A_218] {strides = array<i32>} : memref<64x512xf32, #tpu.memory_space<vmem>>, vector<16xf32>,
      %reduce_max3A = arith.constant true
      %reduce_max3A_220 = vector.broadcast %reduce_max3A : i1 to vector<16xi1>
      %reduce_max3A_221 = tpu.scan <max>, %get3A_213 masked %reduce_max3A_220 : vector<16xf32>, vector<16xi1> -> vector<16xf32>
      %reduce_max3A_222 = vector.extract %reduce_max3A_221[15] : f32 from vector<16xf32>
      %eq3A = vector.broadcast %reduce_max3A_222 : f32 to vector<16xf32>
      %eq3A_223 = arith.cmpf oeq, %get3A_213, %eq3A : vector<16xf32>
      %all_reduce_ffs3A = tpu.all_reduce %eq3A_223 {dim = 0 : i64, kind = #tpu.reduction_kind<find_first_set>} : vector<16xi1> -> vector<16xi32>
      %reduce_max3A_224 = arith.constant true
      %reduce_max3A_225 = vector.broadcast %reduce_max3A_224 : i1 to vector<16xi1>
      %reduce_max3A_226 = tpu.scan <max>, %get3A_216 masked %reduce_max3A_225 : vector<16xf32>, vector<16xi1> -> vector<16xf32>
      %reduce_max3A_227 = vector.extract %reduce_max3A_226[15] : f32 from vector<16xf32>
      %eq3A_228 = vector.broadcast %reduce_max3A_227 : f32 to vector<16xf32>
      %eq3A_229 = arith.cmpf oeq, %get3A_216, %eq3A_228 : vector<16xf32>
      %all_reduce_ffs3A_230 = tpu.all_reduce %eq3A_229 {dim = 0 : i64, kind = #tpu.reduction_kind<find_first_set>} : vector<16xi1> -> vector<16xi32>
      %mul3A_231 = arith.constant 16 : i32
      %mul3A_232 = vector.broadcast %mul3A_231 : i32 to vector<16xi32>
      %mul3A_233 = arith.muli %mul3A_232, %all_reduce_ffs3A_230 : vector<16xi32>
      %add3A_234 = arith.addi %all_reduce_ffs3A, %mul3A_233 : vector<16xi32>
      %reduce_max3A_235 = arith.constant true
      %reduce_max3A_236 = vector.broadcast %reduce_max3A_235 : i1 to vector<16xi1>
      %reduce_max3A_237 = tpu.scan <max>, %get3A_219 masked %reduce_max3A_236 : vector<16xf32>, vector<16xi1> -> vector<16xf32>
      %reduce_max3A_238 = vector.extract %reduce_max3A_237[15] : f32 from vector<16xf32>
      %eq3A_239 = vector.broadcast %reduce_max3A_238 : f32 to vector<16xf32>
      %eq3A_240 = arith.cmpf oeq, %get3A_219, %eq3A_239 : vector<16xf32>
      %all_reduce_ffs3A_241 = tpu.all_reduce %eq3A_240 {dim = 0 : i64, kind = #tpu.reduction_kind<find_first_set>} : vector<16xi1> -> vector<16xi32>
      %min3A = arith.constant 7 : i32
      %min3A_242 = vector.broadcast %min3A : i32 to vector<16xi32>
      %min3A_243 = arith.minsi %all_reduce_ffs3A_241, %min3A_242 : vector<16xi32>
      %add3A_244 = arith.constant 4 : i32
      %add3A_245 = vector.broadcast %add3A_244 : i32 to vector<16xi32>
      %add3A_246 = arith.addi %min3A_243, %add3A_245 : vector<16xi32>
      %shift_right_logical3A = arith.shrui %add3A_234, %add3A_246 : vector<16xi32>
      %gt3A = arith.constant 5.000000e-01 : f32
      %gt3A_247 = vector.broadcast %gt3A : f32 to vector<16xf32>
      %gt3A_248 = arith.cmpf ogt, %get3A_210, %gt3A_247 : vector<16xf32>
      %eq3A_249 = arith.constant 0 : i32
      %eq3A_250 = vector.broadcast %eq3A_249 : i32 to vector<16xi32>
      %eq3A_251 = arith.cmpi eq, %iota3A, %eq3A_250 : vector<16xi32>
      %and3A = arith.andi %gt3A_248, %eq3A_251 : vector<16xi1>
      %all_reduce_population_count3A = tpu.all_reduce %and3A {dim = 0 : i64, kind = #tpu.reduction_kind<sum>} : vector<16xi1> -> vector<16xi32>
      %gt3A_252 = arith.constant 0 : i32
      %gt3A_253 = vector.broadcast %gt3A_252 : i32 to vector<16xi32>
      %gt3A_254 = arith.cmpi sgt, %all_reduce_population_count3A, %gt3A_253 : vector<16xi32>
      %eq3A_255 = arith.constant 1 : i32
      %eq3A_256 = vector.broadcast %eq3A_255 : i32 to vector<16xi32>
      %eq3A_257 = arith.cmpi eq, %iota3A, %eq3A_256 : vector<16xi32>
      %and3A_258 = arith.andi %gt3A_248, %eq3A_257 : vector<16xi1>
      %all_reduce_population_count3A_259 = tpu.all_reduce %and3A_258 {dim = 0 : i64, kind = #tpu.reduction_kind<sum>} : vector<16xi1> -> vector<16xi32>
      %gt3A_260 = arith.constant 0 : i32
      %gt3A_261 = vector.broadcast %gt3A_260 : i32 to vector<16xi32>
      %gt3A_262 = arith.cmpi sgt, %all_reduce_population_count3A_259, %gt3A_261 : vector<16xi32>
      %eq3A_263 = arith.constant 2 : i32
      %eq3A_264 = vector.broadcast %eq3A_263 : i32 to vector<16xi32>
      %eq3A_265 = arith.cmpi eq, %iota3A, %eq3A_264 : vector<16xi32>
      %and3A_266 = arith.andi %gt3A_248, %eq3A_265 : vector<16xi1>
      %all_reduce_population_count3A_267 = tpu.all_reduce %and3A_266 {dim = 0 : i64, kind = #tpu.reduction_kind<sum>} : vector<16xi1> -> vector<16xi32>
      %gt3A_268 = arith.constant 0 : i32
      %gt3A_269 = vector.broadcast %gt3A_268 : i32 to vector<16xi32>
      %gt3A_270 = arith.cmpi sgt, %all_reduce_population_count3A_267, %gt3A_269 : vector<16xi32>
      %and3A_271 = arith.andi %gt3A_254, %gt3A_270 : vector<16xi1>
      %or3A = arith.ori %gt3A_254, %gt3A_262 : vector<16xi1>
      %and3A_272 = arith.andi %or3A, %gt3A_270 : vector<16xi1>
      %jit3A = arith.constant 0 : i32
      %broadcast_in_dim3A = vector.broadcast %jit3A : i32 to vector<16xi32>
      %select_n3A = arith.select %and3A_271, %broadcast_in_dim3A, %shift_right_logical3A : vector<16xi1>, vector<16xi32>
      %get3A_273 = arith.index_cast %scan3A_208 : i32 to index
      %get3A_274 = arith.constant 64 : index
      %get3A_275 = tpu.vector_load %arg4[%get3A_273, %get3A_274] {strides = array<i32>} : memref<64x512xf32, #tpu.memory_space<vmem>>, vector<16xf32>,
      %eq3A_276 = arith.constant 0 : i32
      %eq3A_277 = vector.broadcast %eq3A_276 : i32 to vector<16xi32>
      %eq3A_278 = arith.cmpi eq, %iota3A, %eq3A_277 : vector<16xi32>
      %and3A_279 = arith.andi %and3A_272, %eq3A_278 : vector<16xi1>
      %jit3A_280 = arith.constant 1.000000e+00 : f32
      %jit3A_281 = arith.constant 0.000000e+00 : f32
      %broadcast_in_dim3A_282 = vector.broadcast %jit3A_280 : f32 to vector<16xf32>
      %broadcast_in_dim3A_283 = vector.broadcast %jit3A_281 : f32 to vector<16xf32>
      %select_n3A_284 = arith.select %and3A_279, %broadcast_in_dim3A_282, %broadcast_in_dim3A_283 : vector<16xi1>, vector<16xf32>
      %add3A_285 = arith.addf %get3A_275, %select_n3A_284 : vector<16xf32>
      %swap3A = arith.index_cast %scan3A_208 : i32 to index
      %swap3A_286 = arith.constant 64 : index
      %swap3A_287 = tpu.vector_load %arg4[%swap3A, %swap3A_286] {strides = array<i32>} : memref<64x512xf32, #tpu.memory_space<vmem>>, vector<16xf32>,
      tpu.vector_store %arg4[%swap3A, %swap3A_286], %add3A_285 {strides = array<i32>} : memref<64x512xf32, #tpu.memory_space<vmem>>, vector<16xf32>,
      %get3A_288 = arith.index_cast %scan3A_208 : i32 to index
      %get3A_289 = arith.constant 80 : index
      %get3A_290 = tpu.vector_load %arg4[%get3A_288, %get3A_289] {strides = array<i32>} : memref<64x512xf32, #tpu.memory_space<vmem>>, vector<16xf32>,
      %eq3A_291 = arith.cmpi eq, %iota3A, %select_n3A : vector<16xi32>
      %and3A_292 = arith.andi %and3A_272, %eq3A_291 : vector<16xi1>
      %jit3A_293 = arith.constant 1.000000e+00 : f32
      %jit3A_294 = arith.constant 0.000000e+00 : f32
      %broadcast_in_dim3A_295 = vector.broadcast %jit3A_293 : f32 to vector<16xf32>
      %broadcast_in_dim3A_296 = vector.broadcast %jit3A_294 : f32 to vector<16xf32>
      %select_n3A_297 = arith.select %and3A_292, %broadcast_in_dim3A_295, %broadcast_in_dim3A_296 : vector<16xi1>, vector<16xf32>
      %add3A_298 = arith.addf %get3A_290, %select_n3A_297 : vector<16xf32>
      %swap3A_299 = arith.index_cast %scan3A_208 : i32 to index
      %swap3A_300 = arith.constant 80 : index
      %swap3A_301 = tpu.vector_load %arg4[%swap3A_299, %swap3A_300] {strides = array<i32>} : memref<64x512xf32, #tpu.memory_space<vmem>>, vector<16xf32>,
      tpu.vector_store %arg4[%swap3A_299, %swap3A_300], %add3A_298 {strides = array<i32>} : memref<64x512xf32, #tpu.memory_space<vmem>>, vector<16xf32>,
    }
    %scan3A_173 = arith.constant 64 : i32
    %add3A_174 = arith.constant 384 : i32
    %add3A_175 = arith.addi %mul3A_2, %add3A_174 : i32
    %dma_start3A_176 = arith.constant 0 : i32
    %dma_start3A_177 = tpu.memref_slice %arg3[%add3A_175, %dma_start3A_176] : memref<16384x512xf32, #tpu.memory_space<hbm>> -> memref<64x512xf32, #tpu.memory_space<hbm>>
    %dma_start3A_178 = arith.constant 0 : i32
    %dma_start3A_179 = tpu.memref_slice %arg3[%add3A_175, %dma_start3A_178] : memref<16384x512xf32, #tpu.memory_space<hbm>> -> memref<64x512xf32, #tpu.memory_space<hbm>>
    tpu.enqueue_dma source(%arg4 : memref<64x512xf32, #tpu.memory_space<vmem>>) target(%dma_start3A_179 : memref<64x512xf32, #tpu.memory_space<hbm>>) target_semaphore(%arg10 : memref<!tpu.dma_semaphore, #tpu.memory_space<semaphore_mem>>)
    %dma_wait3A_180 = arith.constant 0 : i32
    %dma_wait3A_181 = tpu.memref_slice %arg2[%add3A_159, %dma_wait3A_180] : memref<16384x512xf32, #tpu.memory_space<hbm>> -> memref<64x512xf32, #tpu.memory_space<hbm>>
    %dma_wait3A_182 = arith.constant 0 : i32
    %dma_wait3A_183 = tpu.memref_slice %arg2[%add3A_159, %dma_wait3A_182] : memref<16384x512xf32, #tpu.memory_space<hbm>> -> memref<64x512xf32, #tpu.memory_space<hbm>>
    tpu.wait_dma2 semaphore(%arg8 : memref<!tpu.dma_semaphore, #tpu.memory_space<semaphore_mem>>) src(%dma_wait3A_183 : memref<64x512xf32, #tpu.memory_space<hbm>>) dst(%arg5 : memref<64x512xf32, #tpu.memory_space<vmem>>)
    %scan3A_184 = arith.constant 0 : i32
    %scan3A_185 = arith.constant 0 : i32
    %scan3A_186 = arith.constant 64 : i32
    %scan3A_187 = arith.addi %scan3A_185, %scan3A_186 : i32
    %scan3A_188 = arith.constant 1 : i32
    scf.for %scan3A_208 = %scan3A_185 to %scan3A_187 step %scan3A_188  : i32 {
      %get3A = arith.index_cast %scan3A_208 : i32 to index
      %get3A_209 = arith.constant 0 : index
      %get3A_210 = tpu.vector_load %arg5[%get3A, %get3A_209] {strides = array<i32>} : memref<64x512xf32, #tpu.memory_space<vmem>>, vector<16xf32>,
      %get3A_211 = arith.index_cast %scan3A_208 : i32 to index
      %get3A_212 = arith.constant 16 : index
      %get3A_213 = tpu.vector_load %arg5[%get3A_211, %get3A_212] {strides = array<i32>} : memref<64x512xf32, #tpu.memory_space<vmem>>, vector<16xf32>,
      %get3A_214 = arith.index_cast %scan3A_208 : i32 to index
      %get3A_215 = arith.constant 32 : index
      %get3A_216 = tpu.vector_load %arg5[%get3A_214, %get3A_215] {strides = array<i32>} : memref<64x512xf32, #tpu.memory_space<vmem>>, vector<16xf32>,
      %get3A_217 = arith.index_cast %scan3A_208 : i32 to index
      %get3A_218 = arith.constant 48 : index
      %get3A_219 = tpu.vector_load %arg5[%get3A_217, %get3A_218] {strides = array<i32>} : memref<64x512xf32, #tpu.memory_space<vmem>>, vector<16xf32>,
      %reduce_max3A = arith.constant true
      %reduce_max3A_220 = vector.broadcast %reduce_max3A : i1 to vector<16xi1>
      %reduce_max3A_221 = tpu.scan <max>, %get3A_213 masked %reduce_max3A_220 : vector<16xf32>, vector<16xi1> -> vector<16xf32>
      %reduce_max3A_222 = vector.extract %reduce_max3A_221[15] : f32 from vector<16xf32>
      %eq3A = vector.broadcast %reduce_max3A_222 : f32 to vector<16xf32>
      %eq3A_223 = arith.cmpf oeq, %get3A_213, %eq3A : vector<16xf32>
      %all_reduce_ffs3A = tpu.all_reduce %eq3A_223 {dim = 0 : i64, kind = #tpu.reduction_kind<find_first_set>} : vector<16xi1> -> vector<16xi32>
      %reduce_max3A_224 = arith.constant true
      %reduce_max3A_225 = vector.broadcast %reduce_max3A_224 : i1 to vector<16xi1>
      %reduce_max3A_226 = tpu.scan <max>, %get3A_216 masked %reduce_max3A_225 : vector<16xf32>, vector<16xi1> -> vector<16xf32>
      %reduce_max3A_227 = vector.extract %reduce_max3A_226[15] : f32 from vector<16xf32>
      %eq3A_228 = vector.broadcast %reduce_max3A_227 : f32 to vector<16xf32>
      %eq3A_229 = arith.cmpf oeq, %get3A_216, %eq3A_228 : vector<16xf32>
      %all_reduce_ffs3A_230 = tpu.all_reduce %eq3A_229 {dim = 0 : i64, kind = #tpu.reduction_kind<find_first_set>} : vector<16xi1> -> vector<16xi32>
      %mul3A_231 = arith.constant 16 : i32
      %mul3A_232 = vector.broadcast %mul3A_231 : i32 to vector<16xi32>
      %mul3A_233 = arith.muli %mul3A_232, %all_reduce_ffs3A_230 : vector<16xi32>
      %add3A_234 = arith.addi %all_reduce_ffs3A, %mul3A_233 : vector<16xi32>
      %reduce_max3A_235 = arith.constant true
      %reduce_max3A_236 = vector.broadcast %reduce_max3A_235 : i1 to vector<16xi1>
      %reduce_max3A_237 = tpu.scan <max>, %get3A_219 masked %reduce_max3A_236 : vector<16xf32>, vector<16xi1> -> vector<16xf32>
      %reduce_max3A_238 = vector.extract %reduce_max3A_237[15] : f32 from vector<16xf32>
      %eq3A_239 = vector.broadcast %reduce_max3A_238 : f32 to vector<16xf32>
      %eq3A_240 = arith.cmpf oeq, %get3A_219, %eq3A_239 : vector<16xf32>
      %all_reduce_ffs3A_241 = tpu.all_reduce %eq3A_240 {dim = 0 : i64, kind = #tpu.reduction_kind<find_first_set>} : vector<16xi1> -> vector<16xi32>
      %min3A = arith.constant 7 : i32
      %min3A_242 = vector.broadcast %min3A : i32 to vector<16xi32>
      %min3A_243 = arith.minsi %all_reduce_ffs3A_241, %min3A_242 : vector<16xi32>
      %add3A_244 = arith.constant 4 : i32
      %add3A_245 = vector.broadcast %add3A_244 : i32 to vector<16xi32>
      %add3A_246 = arith.addi %min3A_243, %add3A_245 : vector<16xi32>
      %shift_right_logical3A = arith.shrui %add3A_234, %add3A_246 : vector<16xi32>
      %gt3A = arith.constant 5.000000e-01 : f32
      %gt3A_247 = vector.broadcast %gt3A : f32 to vector<16xf32>
      %gt3A_248 = arith.cmpf ogt, %get3A_210, %gt3A_247 : vector<16xf32>
      %eq3A_249 = arith.constant 0 : i32
      %eq3A_250 = vector.broadcast %eq3A_249 : i32 to vector<16xi32>
      %eq3A_251 = arith.cmpi eq, %iota3A, %eq3A_250 : vector<16xi32>
      %and3A = arith.andi %gt3A_248, %eq3A_251 : vector<16xi1>
      %all_reduce_population_count3A = tpu.all_reduce %and3A {dim = 0 : i64, kind = #tpu.reduction_kind<sum>} : vector<16xi1> -> vector<16xi32>
      %gt3A_252 = arith.constant 0 : i32
      %gt3A_253 = vector.broadcast %gt3A_252 : i32 to vector<16xi32>
      %gt3A_254 = arith.cmpi sgt, %all_reduce_population_count3A, %gt3A_253 : vector<16xi32>
      %eq3A_255 = arith.constant 1 : i32
      %eq3A_256 = vector.broadcast %eq3A_255 : i32 to vector<16xi32>
      %eq3A_257 = arith.cmpi eq, %iota3A, %eq3A_256 : vector<16xi32>
      %and3A_258 = arith.andi %gt3A_248, %eq3A_257 : vector<16xi1>
      %all_reduce_population_count3A_259 = tpu.all_reduce %and3A_258 {dim = 0 : i64, kind = #tpu.reduction_kind<sum>} : vector<16xi1> -> vector<16xi32>
      %gt3A_260 = arith.constant 0 : i32
      %gt3A_261 = vector.broadcast %gt3A_260 : i32 to vector<16xi32>
      %gt3A_262 = arith.cmpi sgt, %all_reduce_population_count3A_259, %gt3A_261 : vector<16xi32>
      %eq3A_263 = arith.constant 2 : i32
      %eq3A_264 = vector.broadcast %eq3A_263 : i32 to vector<16xi32>
      %eq3A_265 = arith.cmpi eq, %iota3A, %eq3A_264 : vector<16xi32>
      %and3A_266 = arith.andi %gt3A_248, %eq3A_265 : vector<16xi1>
      %all_reduce_population_count3A_267 = tpu.all_reduce %and3A_266 {dim = 0 : i64, kind = #tpu.reduction_kind<sum>} : vector<16xi1> -> vector<16xi32>
      %gt3A_268 = arith.constant 0 : i32
      %gt3A_269 = vector.broadcast %gt3A_268 : i32 to vector<16xi32>
      %gt3A_270 = arith.cmpi sgt, %all_reduce_population_count3A_267, %gt3A_269 : vector<16xi32>
      %and3A_271 = arith.andi %gt3A_254, %gt3A_270 : vector<16xi1>
      %or3A = arith.ori %gt3A_254, %gt3A_262 : vector<16xi1>
      %and3A_272 = arith.andi %or3A, %gt3A_270 : vector<16xi1>
      %jit3A = arith.constant 0 : i32
      %broadcast_in_dim3A = vector.broadcast %jit3A : i32 to vector<16xi32>
      %select_n3A = arith.select %and3A_271, %broadcast_in_dim3A, %shift_right_logical3A : vector<16xi1>, vector<16xi32>
      %get3A_273 = arith.index_cast %scan3A_208 : i32 to index
      %get3A_274 = arith.constant 64 : index
      %get3A_275 = tpu.vector_load %arg5[%get3A_273, %get3A_274] {strides = array<i32>} : memref<64x512xf32, #tpu.memory_space<vmem>>, vector<16xf32>,
      %eq3A_276 = arith.constant 0 : i32
      %eq3A_277 = vector.broadcast %eq3A_276 : i32 to vector<16xi32>
      %eq3A_278 = arith.cmpi eq, %iota3A, %eq3A_277 : vector<16xi32>
      %and3A_279 = arith.andi %and3A_272, %eq3A_278 : vector<16xi1>
      %jit3A_280 = arith.constant 1.000000e+00 : f32
      %jit3A_281 = arith.constant 0.000000e+00 : f32
      %broadcast_in_dim3A_282 = vector.broadcast %jit3A_280 : f32 to vector<16xf32>
      %broadcast_in_dim3A_283 = vector.broadcast %jit3A_281 : f32 to vector<16xf32>
      %select_n3A_284 = arith.select %and3A_279, %broadcast_in_dim3A_282, %broadcast_in_dim3A_283 : vector<16xi1>, vector<16xf32>
      %add3A_285 = arith.addf %get3A_275, %select_n3A_284 : vector<16xf32>
      %swap3A = arith.index_cast %scan3A_208 : i32 to index
      %swap3A_286 = arith.constant 64 : index
      %swap3A_287 = tpu.vector_load %arg5[%swap3A, %swap3A_286] {strides = array<i32>} : memref<64x512xf32, #tpu.memory_space<vmem>>, vector<16xf32>,
      tpu.vector_store %arg5[%swap3A, %swap3A_286], %add3A_285 {strides = array<i32>} : memref<64x512xf32, #tpu.memory_space<vmem>>, vector<16xf32>,
      %get3A_288 = arith.index_cast %scan3A_208 : i32 to index
      %get3A_289 = arith.constant 80 : index
      %get3A_290 = tpu.vector_load %arg5[%get3A_288, %get3A_289] {strides = array<i32>} : memref<64x512xf32, #tpu.memory_space<vmem>>, vector<16xf32>,
      %eq3A_291 = arith.cmpi eq, %iota3A, %select_n3A : vector<16xi32>
      %and3A_292 = arith.andi %and3A_272, %eq3A_291 : vector<16xi1>
      %jit3A_293 = arith.constant 1.000000e+00 : f32
      %jit3A_294 = arith.constant 0.000000e+00 : f32
      %broadcast_in_dim3A_295 = vector.broadcast %jit3A_293 : f32 to vector<16xf32>
      %broadcast_in_dim3A_296 = vector.broadcast %jit3A_294 : f32 to vector<16xf32>
      %select_n3A_297 = arith.select %and3A_292, %broadcast_in_dim3A_295, %broadcast_in_dim3A_296 : vector<16xi1>, vector<16xf32>
      %add3A_298 = arith.addf %get3A_290, %select_n3A_297 : vector<16xf32>
      %swap3A_299 = arith.index_cast %scan3A_208 : i32 to index
      %swap3A_300 = arith.constant 80 : index
      %swap3A_301 = tpu.vector_load %arg5[%swap3A_299, %swap3A_300] {strides = array<i32>} : memref<64x512xf32, #tpu.memory_space<vmem>>, vector<16xf32>,
      tpu.vector_store %arg5[%swap3A_299, %swap3A_300], %add3A_298 {strides = array<i32>} : memref<64x512xf32, #tpu.memory_space<vmem>>, vector<16xf32>,
    }
    %scan3A_189 = arith.constant 64 : i32
    %add3A_190 = arith.constant 448 : i32
    %add3A_191 = arith.addi %mul3A_2, %add3A_190 : i32
    %dma_start3A_192 = arith.constant 0 : i32
    %dma_start3A_193 = tpu.memref_slice %arg3[%add3A_191, %dma_start3A_192] : memref<16384x512xf32, #tpu.memory_space<hbm>> -> memref<64x512xf32, #tpu.memory_space<hbm>>
    %dma_start3A_194 = arith.constant 0 : i32
    %dma_start3A_195 = tpu.memref_slice %arg3[%add3A_191, %dma_start3A_194] : memref<16384x512xf32, #tpu.memory_space<hbm>> -> memref<64x512xf32, #tpu.memory_space<hbm>>
    tpu.enqueue_dma source(%arg5 : memref<64x512xf32, #tpu.memory_space<vmem>>) target(%dma_start3A_195 : memref<64x512xf32, #tpu.memory_space<hbm>>) target_semaphore(%arg11 : memref<!tpu.dma_semaphore, #tpu.memory_space<semaphore_mem>>)
    %dma_wait3A_196 = arith.constant 0 : i32
    %dma_wait3A_197 = tpu.memref_slice %arg3[%add3A_149, %dma_wait3A_196] : memref<16384x512xf32, #tpu.memory_space<hbm>> -> memref<64x512xf32, #tpu.memory_space<hbm>>
    %dma_wait3A_198 = arith.constant 0 : i32
    %dma_wait3A_199 = tpu.memref_slice %arg3[%add3A_149, %dma_wait3A_198] : memref<16384x512xf32, #tpu.memory_space<hbm>> -> memref<64x512xf32, #tpu.memory_space<hbm>>
    tpu.wait_dma2 semaphore(%arg12 : memref<!tpu.dma_semaphore, #tpu.memory_space<semaphore_mem>>) src(%arg6 : memref<64x512xf32, #tpu.memory_space<vmem>>) dst(%dma_wait3A_199 : memref<64x512xf32, #tpu.memory_space<hbm>>)
    %dma_wait3A_200 = arith.constant 0 : i32
    %dma_wait3A_201 = tpu.memref_slice %arg3[%add3A_175, %dma_wait3A_200] : memref<16384x512xf32, #tpu.memory_space<hbm>> -> memref<64x512xf32, #tpu.memory_space<hbm>>
    %dma_wait3A_202 = arith.constant 0 : i32
    %dma_wait3A_203 = tpu.memref_slice %arg3[%add3A_175, %dma_wait3A_202] : memref<16384x512xf32, #tpu.memory_space<hbm>> -> memref<64x512xf32, #tpu.memory_space<hbm>>
    tpu.wait_dma2 semaphore(%arg10 : memref<!tpu.dma_semaphore, #tpu.memory_space<semaphore_mem>>) src(%arg4 : memref<64x512xf32, #tpu.memory_space<vmem>>) dst(%dma_wait3A_203 : memref<64x512xf32, #tpu.memory_space<hbm>>)
    %dma_wait3A_204 = arith.constant 0 : i32
    %dma_wait3A_205 = tpu.memref_slice %arg3[%add3A_191, %dma_wait3A_204] : memref<16384x512xf32, #tpu.memory_space<hbm>> -> memref<64x512xf32, #tpu.memory_space<hbm>>
    %dma_wait3A_206 = arith.constant 0 : i32
    %dma_wait3A_207 = tpu.memref_slice %arg3[%add3A_191, %dma_wait3A_206] : memref<16384x512xf32, #tpu.memory_space<hbm>> -> memref<64x512xf32, #tpu.memory_space<hbm>>
    tpu.wait_dma2 semaphore(%arg11 : memref<!tpu.dma_semaphore, #tpu.memory_space<semaphore_mem>>) src(%arg5 : memref<64x512xf32, #tpu.memory_space<vmem>>) dst(%dma_wait3A_207 : memref<64x512xf32, #tpu.memory_space<hbm>>)
    return
  }
}

</mosaic_0001>

<sc_bundles>
// kernel: kernel.3.cloned.1.call-start
scs
__scs_entry_jumppad:
0x0: {  	(pc) =	sbr.rel $0x88, $3  }
0x1: {  	(tag) =	ssettag $0x0;
	lr =	simm.s32 $0x1  }
0x2: {  	[smem:$0x3FA0] =	sst lr;
	_ =	strace $0xD0000000  }
0x3: {  	_ = 	snop  }
0x4: {  	_ = 	snop  }
0x5: {  	_ = 	snop  }
0x6: {  	_ = 	snop  }
0x7: {  	_ = 	snop  }
__scs_overlays_trampoline_lowered:
0x8: {  	[smem:$0x3FAF] =	sst s0  }
0x9: {  	[smem:$0x3FB0] =	sst s1  }
0xa: {  	[smem:$0x3FB1] =	sst s2  }
0xb: {  	[smem:$0x3FB2] =	sst s3  }
0xc: {  	[smem:$0x3FB3] =	sst s4  }
0xd: {  	[smem:$0x3FB4] =	sst s5  }
0xe: {  	[smem:$0x3FB5] =	sst s6  }
0xf: {  	[smem:$0x3FB6] =	sst s7  }
0x10: {  	[smem:$0x3FB7] =	sst s8  }
0x11: {  	[smem:$0x3FB8] =	sst s9;
	s0 =	simm.s32 @!p0 $0x0  }
0x12: {  	s1 =	sld [smem:$0x3F9E];
	s0 =	simm.s32 @p0 $0x1  }
0x13: {  	[smem:$0x3FB9] =	sst s0;
	s0 =	simm.s32 @!p1 $0x0  }
0x14: {  	s2 =	sld [smem:$0x3F9D];
	s0 =	simm.s32 @p1 $0x1  }
0x15: {  	[smem:$0x3FBA] =	sst s0;
	s0 =	simm.s32 @!p2 $0x0  }
0x16: {  	s3 =	sld [smem:$0x3FDB];
	s0 =	simm.s32 @p2 $0x1  }
0x17: {  	s4 =	simm.s32 $0x1BF5;
	[smem:$0x3FBC] =	sst s0  }
0x18: {  	s0 =	sld [smem:$0x3F9F];
	_ =	swait.ge [sflag:s4], $0x0  }
0x19: {  	s7 =	sld [smem:$0x3FA0]  }
0x1a: {  	s8 =	sadd.s32 $0xFFFFE003, lr  }
0x1b: {  	s9 =	sadd.s32 $0xFFFFFEF7, lr;
	s5 =	simm.s32 $0xFFFFFFFF;
	p2 =	slt.u32 s8, $0xFFFFF086  }
0x1c: {  	p1 =	slt.u32 s9, $0xF7A;
	s5 =	simm.s32 @!p2 $0x0  }
0x1d: {  	s5 =	simm.s32 @p1 $0x1;
	p0 =	seq.s32 s7, s2  }
0x1e: {  	s7 =	smul.u32 @!p0 $0xF7A, s2;
	p2 =	seq.s32 @!p0 s5, $0x0  }
0x1f: {  	s9 =	smul.u32 $0xF7A, s1;
	s8 =	simm.s32 @!p0 $0x1BF5;
	p2 =	por !p2, p0  }
0x20: {  	[sflag:s8] =	ssyncset.s32 @!p0 $0xFFFFF086;
	s6 =	sadd.s32 @!p0 s3, s7;
	s7 =	simm.s32 @!p0 $0x108  }
0x21: {  	s3 =	sadd.s32 s3, s9;
	s6 =	sadd.s32 @!p0 $0x88, s6;
	s7 =	simm.s32 @p2 $0x1082  }
0x22: {  	[simem:s7], [sflag:s8] =	dma.local @!p0 [hbm:s6], $0xF7A  }
0x23: {  	s9 =	sor.u32 $0xD0000000, s2;
	s6 =	simm.s32 $0x108;
	_ =	swait.ge @!p0 [sflag:s8], $0x0  }
0x24: {  	s3 =	sadd.s32 $0x88, s3;
	s6 =	simm.s32 @!p1 $0x1082;
	[sflag:s4] =	ssyncset.s32 $0xFFFFF086  }
0x25: {  	[simem:s6], [sflag:s4] =	dma.local [hbm:s3], $0xF7A  }
0x26: {  	[smem:$0x3FA0] =	sst s1;
	(tag) =	ssettag s2;
	_ =	strace s9  }
0x27: {  	s1 =	sld [smem:$0x3FB0]  }
0x28: {  	s2 =	sld [smem:$0x3FB1]  }
0x29: {  	s4 =	sld [smem:$0x3FB3]  }
0x2a: {  	p0 =	seq.s32 s5, $0x0;
	s5 =	sld [smem:$0x3FB4]  }
0x2b: {  	s6 =	sld [smem:$0x3FB5]  }
0x2c: {  	s7 =	sld [smem:$0x3FB6]  }
0x2d: {  	s3 =	simm.s32 $0x108;
	s8 =	sld [smem:$0x3FB7]  }
0x2e: {  	s3 =	simm.s32 @!p0 $0x1082;
	s9 =	sld [smem:$0x3FB8]  }
0x2f: {  	lr =	sadd.s32 s0, s3;
	s0 =	sld [smem:$0x3FAF]  }
0x30: {  	s3 =	sld [smem:$0x3FB2]  }
0x31: {  	[smem:$0x3FBB] =	sst s10  }
0x32: {  	s10 =	sld [smem:$0x3FB9];
	_ =	sdelay $0x3  }
0x33: {  	p0 =	seq.s32 s10, $0x1;
	s10 =	sld [smem:$0x3FBB];
	_ =	sdelay $0x3  }
0x34: {  	[smem:$0x3FBB] =	sst s10  }
0x35: {  	s10 =	sld [smem:$0x3FBA];
	_ =	sdelay $0x3  }
0x36: {  	p1 =	seq.s32 s10, $0x1;
	s10 =	sld [smem:$0x3FBB];
	_ =	sdelay $0x3  }
0x37: {  	[smem:$0x3FBB] =	sst s10  }
0x38: {  	s10 =	sld [smem:$0x3FBC]  }
0x39: {  	_ = 	snop;
	(pc) =	sbr.ind lr, $3  }
0x3a: {  	_ = 	snop  }
0x3b: {  	_ = 	snop  }
0x3c: {  	p2 =	seq.s32 s10, $0x1;
	s10 =	sld [smem:$0x3FBB]  }
0x3d: {  	_ =	shalt  }
0x3e: {  	_ =	shalt  }
0x3f: {  	_ =	shalt  }
0x40: {  	_ =	shalt  }
0x41: {  	_ =	shalt  }
0x42: {  	_ =	shalt  }
0x43: {  	_ =	shalt  }
0x44: {  	_ =	shalt  }
0x45: {  	_ =	shalt  }
0x46: {  	_ =	shalt  }
0x47: {  	_ =	shalt  }
0x48: {  	_ =	shalt  }
0x49: {  	_ =	shalt  }
0x4a: {  	_ =	shalt  }
0x4b: {  	_ =	shalt  }
0x4c: {  	_ =	shalt  }
0x4d: {  	_ =	shalt  }
0x4e: {  	_ =	shalt  }
0x4f: {  	_ =	shalt  }
0x50: {  	_ =	shalt  }
0x51: {  	_ =	shalt  }
0x52: {  	_ =	shalt  }
0x53: {  	_ =	shalt  }
0x54: {  	_ =	shalt  }
0x55: {  	_ =	shalt  }
0x56: {  	_ =	shalt  }
0x57: {  	_ =	shalt  }
0x58: {  	_ =	shalt  }
0x59: {  	_ =	shalt  }
0x5a: {  	_ =	shalt  }
0x5b: {  	_ =	shalt  }
0x5c: {  	_ =	shalt  }
0x5d: {  	_ =	shalt  }
0x5e: {  	_ =	shalt  }
0x5f: {  	_ =	shalt  }
0x60: {  	_ =	shalt  }
0x61: {  	_ =	shalt  }
0x62: {  	_ =	shalt  }
0x63: {  	_ =	shalt  }
0x64: {  	_ =	shalt  }
0x65: {  	_ =	shalt  }
0x66: {  	_ =	shalt  }
0x67: {  	_ =	shalt  }
0x68: {  	_ =	shalt  }
0x69: {  	_ =	shalt  }
0x6a: {  	_ =	shalt  }
0x6b: {  	_ =	shalt  }
0x6c: {  	_ =	shalt  }
0x6d: {  	_ =	shalt  }
0x6e: {  	_ =	shalt  }
0x6f: {  	_ =	shalt  }
0x70: {  	_ =	shalt  }
0x71: {  	_ =	shalt  }
0x72: {  	_ =	shalt  }
0x73: {  	_ =	shalt  }
0x74: {  	_ =	shalt  }
0x75: {  	_ =	shalt  }
0x76: {  	_ =	shalt  }
0x77: {  	_ =	shalt  }
0x78: {  	_ =	shalt  }
0x79: {  	_ =	shalt  }
0x7a: {  	_ =	shalt  }
0x7b: {  	_ =	shalt  }
0x7c: {  	_ =	shalt  }
0x7d: {  	_ =	shalt  }
0x7e: {  	_ =	shalt  }
0x7f: {  	_ =	shalt  }
0x80: {  	_ =	shalt  }
0x81: {  	_ =	shalt  }
0x82: {  	_ =	shalt  }
0x83: {  	_ =	shalt  }
0x84: {  	_ =	shalt  }
0x85: {  	_ =	shalt  }
0x86: {  	_ =	shalt  }
0x87: {  	_ =	shalt  }
.Lfunc_end0:
.L_simem_size_0:
called_computation_lowered:
.L_overlay_start_0:
0x88: {  	s2 =	sld [smem:$0x3FD9]  }
0x89: {  	s3 =	sld [smem:$0x3FFE];
	_ =	sdelay $0x1  }
0x8a: {  	s1 =	srdreg.scid  }
0x8b: {  	s0 =	sand.u32 $0x1, s1  }
0x8c: {  	s18 =	sshll.u32 s0, $0xA;
	s2 =	sadd.s32 s3, s2  }
0x8d: {  	s2 =	sadd.s32 s2, s18  }
0x8e: {  	[smem:$0x3FC7] =	sst s2  }
0x8f: {  	_ = 	snop  }
0x90: {  	s2 =	sld [smem:$0x3FC9]  }
0x91: {  	s19 =	sld [smem:$0x3FD0];
	(tm) =	ssettm $0x1  }
0x92: {  	s4 =	sld [smem:$0x3FFB];
	_ =	sdelay $0x3  }
0x93: {  	_ =	strace s4  }
0x94: {  	s4 =	sld [smem:$0x3FFC];
	_ =	sdelay $0x3  }
0x95: {  	_ =	strace s4  }
0x96: {  	s4 =	sld [smem:$0x3FFD];
	_ =	sdelay $0x3  }
0x97: {  	_ =	strace s4  }
0x98: {  	_ =	strace $0x8FFFFFFF  }
0x99: {  	s20 =	sld [smem:$0x3FDB];
	_ =	sdelay $0x1  }
0x9a: {  	s5 =	simm.s32 $_scs_section_size  }
0x9b: {  	s6 =	simm.s32 $_size__tile_overlayer_lowered;
	s7 =	simm.s32 $_tile_overlayer_lowered  }
0x9c: {  	s23 =	simm.s32 $0x1BFF;
	s22 =	sshll.u32 s7, $0x1;
	s4 =	sadd.s32 s5, s20  }
0x9d: {  	s8 =	simm.s32 $0x0;
	s21 =	sshll.u32 s6, $0x1;
	s6 =	sadd.s32 s22, s4  }
0x9e: {  	[timem:s8], [sflag:s23] =	dma.local [hbm:s6], s21  }
0x9f: {  	_ =	swait.ge [sflag:s23], s21  }
0xa0: {  	s5 =	ssub.s32 $0x0, s21;
	[sflag:s23] =	ssyncset.done $0x0  }
0xa1: {  	[sflag:s23] =	ssyncadd.s32 s5;
	_ =	sdelay $0x1  }
0xa2: {  	s24 =	simm.s32 $0x1B8B  }
0xa3: {  	_ =	swait.ge [sflag:s24], $0x1  }
0xa4: {  	[sflag:s24] =	ssyncset.done $0x0  }
0xa5: {  	s25 =	simm.s32 $0x1B8E;
	[sflag:s24] =	ssyncadd.s32 $0xFFFFFFFF  }
0xa6: {  	s26 =	simm.s32 $execute0_lowered;
	[smem:$0x3FD2] =	sst s25  }
0xa7: {  	s5 =	sshll.u32 s26, $0x1;
	_ =	strace $0x80000046;
	[dreg:$0x1] =	wrdreg $0xFFFFFFFF  }
0xa8: {  	s28 =	simm.s32 $_size_execute0_lowered;
	s4 =	sadd.s32 s4, s5;
	[dreg:$0x0] =	wrdreg $0x0  }
0xa9: {  	s5 =	sshll.u32 s28, $0x1;
	[dreg:$0x2] =	wrdreg s4  }
0xaa: {  	[dreg:$0x3] =	wrdreg s5  }
0xab: {  	[dreg:$0x4] =	wrdreg $0xC0  }
0xac: {  	_ =	task [dreg:s8], $0x5FFFF  }
0xad: {  	[dreg:$0x1] =	wrdreg $0xFFFFFFFF  }
0xae: {  	[dreg:$0x0] =	wrdreg $0x60  }
0xaf: {  	[dreg:$0x2] =	wrdreg s2  }
0xb0: {  	[dreg:$0x3] =	wrdreg s19  }
0xb1: {  	[dreg:$0x4] =	wrdreg $0x9  }
0xb2: {  	_ =	task.clear_ibuf [dreg:s8], $0x5FFFF;
	_ =	strace $0x90000046  }
0xb3: {  	s29 =	simm.s32 $0x9;
	_ =	strace $0x80000048  }
0xb4: {  	_ =	swait.ge [sflag:s29], $0x1  }
0xb5: {  	[sflag:s29] =	ssyncadd.s32 $0xFFFFFFFF  }
0xb6: {  	_ =	strace $0x90000048  }
0xb7: {  	_ =	sfence  }
0xb8: {  	s30 =	sld [smem:$0x0];
	_ =	sdelay $0x2  }
0xb9: {  	s31 =	sshll.u32 s1, $0xD;
	s1 =	sshrl.u32 s1, $0x2  }
0xba: {  	s3 =	sand.u32 $0x4000, s31;
	s1 =	sadd.s32 s1, s30  }
0xbb: {  	s0 =	sor.u32 s3, s0;
	s1 =	sshll.u32 s1, $0x11  }
0xbc: {  	s0 =	sor.u32 s1, s0  }
0xbd: {  	s0 =	sadd.s32 $0x8F2B, s0  }
0xbe: {  	[sflag:s0] =	ssyncadd.remote.s32 $0x1  }
0xbf: {  	_ =	sfence.sel $0xFFFF  }
0xc0: {  	[dreg:$0x0] =	wrdreg $0xFFFFFFFF;
	(pc) =	sbr.abs _section_cstart, $3  }
0xc1: {  	[dreg:$0x1] =	wrdreg $0xFFFFFFFF  }
0xc2: {  	_ =	task.clear_ibuf [dreg:s8], $0x2FFFF;
	_ =	strace $0x9FFFFFFF  }
0xc3: {  	(tm) =	ssettm $0x7FFFFFFF  }
tec
execute0_lowered:
.L_overlay_start_1:
0x0: {  	(tag) =	ssettag $0x1  }
0x1: {  	s0 =	rddreg [dreg:$0x0]  }
0x2: {  	s1 =	rddreg [dreg:$0x1]  }
0x3: {  	s2 =	srdreg.scid;
	s4 =	stileid.u32  }
0x4: {  	s20 =	simm.s32 $0x8000;
	s21 =	simm.s32 $0x1;
	s22 =	simm.s32 $0x10000  }
0x5: {  	s23 =	simm.s32 $0x2;
	s24 =	simm.s32 $0x4;
	s25 =	simm.s32 $0x3  }
0x6: {  	s28 =	simm.s32 $0x6;
	s29 =	simm.s32 $0x0;
	s3 =	sand.u32 $0x1, s2  }
0x7: {  	s2 =	simm.s32 $0x0;
	s4 =	sshll.u32 s4, $0x10;
	s5 =	sshll.u32 s3, $0xF  }
0x8: {  	[smem:$0x7FF] =	sst s2;
	s3 =	ssub.s32 $0x2, s3;
	s4 =	sor.u32 s5, s4  }
0x9: {  	_ =	strace $0x80000047;
	s26 =	sshrl.u32 s3, $0x1;
	s7 =	sor.u32 $0x1000, s4  }
0xa: {  	s3 =	ssub.s32 s3, s26;
	s30 =	sadd.s32 s0, s4;
	s5 =	sadd.s32 s1, s4  }
0xb: {  	s9 =	sor.u32 $0x2000, s4;
	s11 =	sor.u32 $0x3000, s4;
	s13 =	sor.u32 $0x4000, s4  }
0xc: {  	s15 =	sor.u32 $0x5000, s4;
	s17 =	sor.u32 $0x6000, s4;
	s4 =	sor.u32 $0x7000, s4  }
0xd: {  	s26 =	simm.s32 $0x5;
	[dreg:$0x3] =	wrdreg s30;
	s31 =	sadd.s32 s0, s7  }
0xe: {  	s6 =	sadd.s32 s0, s9;
	s7 =	sadd.s32 s1, s7;
	s8 =	sadd.s32 s0, s11  }
0xf: {  	s9 =	sadd.s32 s1, s9;
	s10 =	sadd.s32 s0, s13;
	s11 =	sadd.s32 s1, s11  }
0x10: {  	vm0 =	vmmov $0x1;
	s12 =	sadd.s32 s0, s15;
	s13 =	sadd.s32 s1, s13;
	s14 =	sadd.s32 s0, s17  }
0x11: {  	vm1 =	vcmask $0x704;
	v0 =	vimm.f32 $0.0e+00;
	vm3 =	vcmask $0x300;
	s15 =	sadd.s32 s1, s15;
	s16 =	sadd.s32 s0, s4;
	s17 =	sadd.s32 s1, s17  }
0x12: {  	vm2 =	vcmask $0xB08;
	v2 =	vlaneseq.u32;
	v1 =	vsel vm3, $0x3F800000, v0;
	s18 =	sadd.s32 s1, s4;
	s19 =	smax.u32 s3, $0x1;
	[dreg:$0x4] =	wrdreg s31  }
.LBB2_1:
0x13: {  	s0 =	rddreg [dreg:$0x3]  }
0x14: {  	[tilespmem:s2], [sflag:$0x1] =	stream.linear.gather [hbm4b:s0+s2], $0x8000, $0x38;
	[tilespmem:$0x18000] =	vst v63  }
0x15: {  	s3 =	rddreg [dreg:$0x4]  }
0x16: {  	[tilespmem:s20], [sflag:$0x2] =	stream.linear.gather [hbm4b:s3+s2], $0x8000, $0x38;
	[tilespmem:$0x18000] =	vst v63  }
0x17: {  	_ =	swait.ge [sflag:s21], $0x8000  }
0x18: {  	s4 =	sand.u32 $0x7000, s2;
	s1 =	sand.u32 $0x380, s2;
	[sflag:s21] =	ssyncset.done $0x0  }
0x19: {  	s31 =	sor.u32 s1, s4;
	[sflag:s21] =	ssyncadd.s32 $0xFFFF8000  }
0x1a: {  	v4 =	vld [tilespmem:s31+$0x30]  }
0x1b: {  	v5 =	vld [tilespmem:s31+$0x20]  }
0x1c: {  	v6 =	vld [tilespmem:s31+$0x10];
	_ =	sdelay $0x2  }
0x1d: {  	(xrf0) =	vmax.scan.msk.f32 $0xffff, v4  }
0x1e: {  	(xrf0) =	vmax.scan.msk.f32 $0xffff, v5  }
0x1f: {  	(xrf0) =	vmax.scan.msk.f32 $0xffff, v6;
	_ =	sdelay $0x1  }
0x20: {  	v3 =	vld [tilespmem:s31+$0x0];
	_ =	sdelay $0x1  }
0x21: {  	v7, _, _ =	vpop (xrf0)  }
0x22: {  	v7 =	vbroadcast v7, $0xF;
	v8, _, _ =	vpop (xrf0)  }
0x23: {  	s1 =	simm.s32 $0x200;
	s3 =	simm.s32 $0x80;
	v8 =	vbroadcast v8, $0xF;
	v9, _, _ =	vpop (xrf0)  }
0x24: {  	s0 =	sand.u32 $0x7000, s1;
	s1 =	sand.u32 $0x380, s3;
	vm3 =	vgt.f32 v3, $5.000000000e-01;
	v9 =	vbroadcast v9, $0xF;
	vm6 =	veq.f32 v4, v7  }
0x25: {  	s30 =	sor.u32 s1, s0;
	vm4 =	vmand vm3, vm1;
	vm7 =	veq.f32 v5, v8;
	v5 =	vmctz.xlane vm6  }
0x26: {  	v3 =	vld [tilespmem:s30+$0x30];
	v7 =	vmpcnt.ones.xlane vm4;
	vm4 =	veq.f32 v6, v9  }
0x27: {  	v4 =	vld [tilespmem:s30+$0x20];
	v9 =	vmctz.xlane vm4;
	vm4 =	vlt.s32 v5, $0x7  }
0x28: {  	vm5 =	vmand vm3, vm0;
	v12 =	vnsel vm4, $0x7, v5;
	v5 =	vld [tilespmem:s30+$0x10]  }
0x29: {  	vm3 =	vmand vm3, vm2;
	v8 =	vmpcnt.ones.xlane vm5;
	v6 =	vmctz.xlane vm7  }
0x2a: {  	v10 =	vmpcnt.ones.xlane vm3  }
0x2b: {  	v11 =	vld [tilespmem:s30+$0x0];
	(xrf0) =	vmax.scan.msk.f32 $0xffff, v3;
	vm3 =	vgt.s32 v8, $0x0;
	v6 =	vshll.u32 v6, $0x4  }
0x2c: {  	vm4 =	vgt.s32 v10, $0x0;
	v6 =	vadd.s32 v9, v6;
	v8 =	vadd.s32 $0x4, v12;
	(xrf0) =	vmax.scan.msk.f32 $0xffff, v4  }
0x2d: {  	vm6 =	vgt.s32 v7, $0x0;
	v7 =	vld [tilespmem:s31+$0x40];
	vm5 =	vmand vm3, vm4;
	v6 =	vshrl.u32 v6, v8;
	(xrf0) =	vmax.scan.msk.f32 $0xffff, v5  }
0x2e: {  	vm8 =	vmneg vm5;
	vm7 =	veq.s32 v6, v2;
	v6 =	vld [tilespmem:s31+$0x50]  }
0x2f: {  	vm6 =	vmor vm3, vm6;
	vm5 =	vmand vm5, vm0;
	vm7 =	vmand vm8, vm7  }
0x30: {  	s4 =	simm.s32 $0x400;
	s0 =	simm.s32 $0x100;
	vm3 =	vgt.f32 v11, $5.000000000e-01;
	vm6 =	vmand vm6, vm4;
	vm5 =	vmor vm5, vm7  }
0x31: {  	s3 =	sand.u32 $0x7000, s4;
	s1 =	simm.s32 $0x600;
	s4 =	sand.u32 $0x380, s0;
	vm4 =	vmand vm3, vm1;
	v8 =	vnsel vm6, $0x0, v1;
	v9, _, _ =	vpop (xrf0);
	vm5 =	vmand vm6, vm5  }
.LBB2_2:
0x32: {  	p0 =	sne.s32 s1, $0x7E00;
	s3 =	sor.u32 s4, s3;
	v9 =	vbroadcast v9, $0xF;
	v10, _, _ =	vpop (xrf0);
	v7 =	vadd.f32 v8, v7;
	v8 =	vsel vm5, $0x3F800000, v0  }
0x33: {  	vm5 =	vmand vm3, vm0;
	v11 =	vld [tilespmem:s3+$0x30];
	v10 =	vbroadcast v10, $0xF;
	v12, _, _ =	vpop (xrf0);
	v6 =	vadd.f32 v8, v6  }
0x34: {  	vm3 =	vmand vm3, vm2;
	v8 =	vld [tilespmem:s3+$0x20];
	v12 =	vbroadcast v12, $0xF;
	vm6 =	veq.f32 v3, v9;
	[tilespmem:s31+$0x40] =	vst v7  }
0x35: {  	v9 =	vld [tilespmem:s3+$0x10];
	vm7 =	veq.f32 v4, v10;
	v14 =	vmctz.xlane vm6;
	v10 =	vmpcnt.ones.xlane vm4;
	[tilespmem:s31+$0x50] =	vst v6;
	s31 =	smov.u32 s30;
	s30 =	smov.u32 s3  }
0x36: {  	vm4 =	veq.f32 v5, v12;
	v16 =	vmctz.xlane vm7;
	v5 =	vmpcnt.ones.xlane vm5  }
0x37: {  	v7 =	vmpcnt.ones.xlane vm3;
	v6 =	vmctz.xlane vm4;
	vm4 =	vlt.s32 v14, $0x7  }
0x38: {  	v12 =	vld [tilespmem:s30+$0x0];
	(xrf0) =	vmax.scan.msk.f32 $0xffff, v11;
	v15 =	vshll.u32 v16, $0x4;
	v13 =	vnsel vm4, $0x7, v14;
	vm3 =	vgt.s32 v5, $0x0;
	v3 =	vmovc v11  }
0x39: {  	vm4 =	vgt.s32 v7, $0x0;
	(xrf0) =	vmax.scan.msk.f32 $0xffff, v8;
	v11 =	vadd.s32 v6, v15;
	v6 =	vadd.s32 $0x4, v13;
	v4 =	vmovc v8  }
.Ltmp0:
0x3a: {  	vm5 =	vmand vm3, vm4;
	(xrf0) =	vmax.scan.msk.f32 $0xffff, v9;
	v8 =	vshrl.u32 v11, v6;
	v7 =	vld [tilespmem:s31+$0x40];
	v5 =	vmov v9;
	(pc) =	sbr.rel @p0 .LBB2_2-.Ltmp0, $4  }
0x3b: {  	vm6 =	vgt.s32 v10, $0x0;
	vm8 =	vmneg vm5;
	v6 =	vld [tilespmem:s31+$0x50];
	vm7 =	veq.s32 v8, v2  }
0x3c: {  	vm6 =	vmor vm3, vm6;
	vm5 =	vmand vm5, vm0;
	vm7 =	vmand vm8, vm7  }
0x3d: {  	s0 =	sadd.s32 $0x80, s0;
	vm6 =	vmand vm6, vm4;
	vm3 =	vgt.f32 v12, $5.000000000e-01;
	vm5 =	vmor vm5, vm7  }
0x3e: {  	s4 =	sand.u32 $0x380, s0;
	s3 =	sand.u32 $0x7000, s1;
	s1 =	sadd.s32 $0x200, s1;
	v8 =	vnsel vm6, $0x0, v1;
	vm4 =	vmand vm3, vm1;
	v9, _, _ =	vpop (xrf0);
	vm5 =	vmand vm6, vm5  }
0x3f: {  	s0 =	sor.u32 s4, s3;
	v9 =	vbroadcast v9, $0xF;
	v10, _, _ =	vpop (xrf0);
	v7 =	vadd.f32 v8, v7;
	v8 =	vsel vm5, $0x3F800000, v0  }
0x40: {  	vm5 =	vmand vm3, vm0;
	vm3 =	vmand vm3, vm2;
	v11 =	vld [tilespmem:s0+$0x30];
	v10 =	vbroadcast v10, $0xF;
	v12, _, _ =	vpop (xrf0)  }
0x41: {  	v6 =	vadd.f32 v8, v6;
	v8 =	vld [tilespmem:s0+$0x20];
	v12 =	vbroadcast v12, $0xF;
	vm6 =	veq.f32 v3, v9;
	[tilespmem:s31+$0x40] =	vst v7  }
0x42: {  	v7 =	vmpcnt.ones.xlane vm4;
	v3 =	vld [tilespmem:s0+$0x10];
	vm7 =	veq.f32 v4, v10;
	v4 =	vmctz.xlane vm6  }
0x43: {  	v9 =	vmpcnt.ones.xlane vm5;
	vm4 =	veq.f32 v5, v12;
	v5 =	vmctz.xlane vm7  }
0x44: {  	[tilespmem:s31+$0x50] =	vst v6;
	v10 =	vmpcnt.ones.xlane vm3;
	v6 =	vmctz.xlane vm4;
	vm4 =	vlt.s32 v4, $0x7  }
0x45: {  	v62 =	vld [tilespmem:s0+$0x0];
	vm3 =	vgt.s32 v9, $0x0;
	(xrf0) =	vmax.scan.msk.f32 $0xffff, v11;
	v5 =	vshll.u32 v5, $0x4;
	v4 =	vnsel vm4, $0x7, v4  }
0x46: {  	vm4 =	vgt.s32 v10, $0x0;
	(xrf0) =	vmax.scan.msk.f32 $0xffff, v8;
	v5 =	vadd.s32 v6, v5;
	v4 =	vadd.s32 $0x4, v4  }
0x47: {  	vm6 =	vgt.s32 v7, $0x0;
	vm5 =	vmand vm3, vm4;
	(xrf0) =	vmax.scan.msk.f32 $0xffff, v3;
	v4 =	vshrl.u32 v5, v4;
	v5 =	vld [tilespmem:s30+$0x40]  }
0x48: {  	vm3 =	vmor vm3, vm6;
	vm8 =	vmneg vm5  }
0x49: {  	v6 =	vld [tilespmem:s30+$0x50];
	vm5 =	vmand vm5, vm0;
	vm3 =	vmand vm3, vm4;
	vm7 =	veq.s32 v4, v2  }
0x4a: {  	v7 =	vnsel vm3, $0x0, v1;
	vm6 =	vmand vm8, vm7;
	vm7 =	vgt.f32 v62, $5.000000000e-01  }
0x4b: {  	vm4 =	vmor vm5, vm6;
	vm5 =	vmand vm7, vm1;
	vm6 =	vmand vm7, vm2;
	v4, _, _ =	vpop (xrf0)  }
0x4c: {  	vm3 =	vmand vm3, vm4;
	v4 =	vbroadcast v4, $0xF;
	v9, _, _ =	vpop (xrf0);
	v5 =	vadd.f32 v7, v5  }
0x4d: {  	v7 =	vsel vm3, $0x3F800000, v0;
	vm3 =	vmand vm7, vm0;
	v9 =	vbroadcast v9, $0xF;
	v10, _, _ =	vpop (xrf0)  }
0x4e: {  	v6 =	vadd.f32 v7, v6;
	v7 =	vbroadcast v10, $0xF;
	vm4 =	veq.f32 v11, v4  }
0x4f: {  	v10 =	vmpcnt.ones.xlane vm6;
	vm7 =	veq.f32 v8, v9;
	v4 =	vmctz.xlane vm4  }
0x50: {  	v8 =	vmpcnt.ones.xlane vm5;
	vm4 =	veq.f32 v3, v7;
	v3 =	vmctz.xlane vm7  }
0x51: {  	v7 =	vmpcnt.ones.xlane vm3;
	v9 =	vmctz.xlane vm4;
	vm3 =	vlt.s32 v4, $0x7  }
0x52: {  	[tilespmem:s30+$0x40] =	vst v5;
	vm4 =	vgt.s32 v10, $0x0;
	v3 =	vshll.u32 v3, $0x4;
	v4 =	vnsel vm3, $0x7, v4  }
0x53: {  	[tilespmem:s30+$0x50] =	vst v6;
	vm3 =	vgt.s32 v7, $0x0;
	v3 =	vadd.s32 v9, v3;
	v4 =	vadd.s32 $0x4, v4  }
0x54: {  	vm5 =	vmand vm3, vm4;
	v3 =	vshrl.u32 v3, v4;
	v4 =	vld [tilespmem:s0+$0x40]  }
0x55: {  	v5 =	vld [tilespmem:s0+$0x50];
	vm6 =	vgt.s32 v8, $0x0;
	vm14 =	vmneg vm5;
	vm7 =	veq.s32 v3, v2  }
0x56: {  	vm3 =	vmor vm3, vm6;
	vm5 =	vmand vm5, vm0;
	vm6 =	vmand vm14, vm7  }
0x57: {  	vm3 =	vmand vm3, vm4;
	vm4 =	vmor vm5, vm6  }
0x58: {  	v3 =	vnsel vm3, $0x0, v1;
	vm3 =	vmand vm3, vm4  }
0x59: {  	v3 =	vadd.f32 v3, v4;
	v4 =	vsel vm3, $0x3F800000, v0  }
0x5a: {  	v4 =	vadd.f32 v4, v5  }
0x5b: {  	[tilespmem:s0+$0x40] =	vst v3  }
0x5c: {  	s4 =	simm.s32 $0x0;
	[tilespmem:s0+$0x50] =	vst v4  }
0x5d: {  	[hbm4b:s5+s4] =	stream.linear.scatter [tilespmem:s4], [sflag:$0x4], $0x8000, $0x38;
	[tilespmem:$0x18000] =	vst v63  }
0x5e: {  	_ = 	snop  }
0x5f: {  	[tilespmem:s22], [sflag:$0x3] =	stream.linear.gather [hbm4b:s6+s4], $0x8000, $0x38;
	[tilespmem:$0x18000] =	vst v63  }
0x60: {  	_ =	swait.ge [sflag:s23], $0x8000  }
0x61: {  	s1 =	sand.u32 $0x7000, s4;
	s0 =	sand.u32 $0x380, s4;
	[sflag:s23] =	ssyncset.done $0x0  }
0x62: {  	s31 =	sor.u32 s0, s1;
	[sflag:s23] =	ssyncadd.s32 $0xFFFF8000  }
0x63: {  	v4 =	vld [tilespmem:s31+$0x8030]  }
0x64: {  	v5 =	vld [tilespmem:s31+$0x8020]  }
0x65: {  	v6 =	vld [tilespmem:s31+$0x8010];
	_ =	sdelay $0x2  }
0x66: {  	(xrf0) =	vmax.scan.msk.f32 $0xffff, v4  }
0x67: {  	(xrf0) =	vmax.scan.msk.f32 $0xffff, v5  }
0x68: {  	(xrf0) =	vmax.scan.msk.f32 $0xffff, v6;
	_ =	sdelay $0x1  }
0x69: {  	v3 =	vld [tilespmem:s31+$0x8000];
	_ =	sdelay $0x1  }
0x6a: {  	v7, _, _ =	vpop (xrf0)  }
0x6b: {  	v7 =	vbroadcast v7, $0xF;
	v8, _, _ =	vpop (xrf0)  }
0x6c: {  	s3 =	simm.s32 $0x80;
	s1 =	simm.s32 $0x200;
	v8 =	vbroadcast v8, $0xF;
	v9, _, _ =	vpop (xrf0)  }
0x6d: {  	s0 =	sand.u32 $0x7000, s1;
	s1 =	sand.u32 $0x380, s3;
	vm3 =	vgt.f32 v3, $5.000000000e-01;
	v9 =	vbroadcast v9, $0xF;
	vm6 =	veq.f32 v4, v7  }
0x6e: {  	s30 =	sor.u32 s1, s0;
	vm4 =	vmand vm3, vm1;
	vm7 =	veq.f32 v5, v8;
	v5 =	vmctz.xlane vm6  }
0x6f: {  	v3 =	vld [tilespmem:s30+$0x8030];
	v7 =	vmpcnt.ones.xlane vm4;
	vm4 =	veq.f32 v6, v9  }
0x70: {  	v4 =	vld [tilespmem:s30+$0x8020];
	v9 =	vmctz.xlane vm4;
	vm4 =	vlt.s32 v5, $0x7  }
0x71: {  	vm5 =	vmand vm3, vm0;
	v63 =	vnsel vm4, $0x7, v5;
	v5 =	vld [tilespmem:s30+$0x8010]  }
0x72: {  	vm3 =	vmand vm3, vm2;
	v8 =	vmpcnt.ones.xlane vm5;
	v6 =	vmctz.xlane vm7  }
0x73: {  	v10 =	vmpcnt.ones.xlane vm3  }
0x74: {  	v11 =	vld [tilespmem:s30+$0x8000];
	(xrf0) =	vmax.scan.msk.f32 $0xffff, v3;
	vm3 =	vgt.s32 v8, $0x0;
	v6 =	vshll.u32 v6, $0x4  }
0x75: {  	vm4 =	vgt.s32 v10, $0x0;
	v6 =	vadd.s32 v9, v6;
	v8 =	vadd.s32 $0x4, v63;
	(xrf0) =	vmax.scan.msk.f32 $0xffff, v4  }
0x76: {  	vm6 =	vgt.s32 v7, $0x0;
	v7 =	vld [tilespmem:s31+$0x8040];
	vm5 =	vmand vm3, vm4;
	v6 =	vshrl.u32 v6, v8;
	(xrf0) =	vmax.scan.msk.f32 $0xffff, v5  }
0x77: {  	vm15 =	vmneg vm5;
	vm7 =	veq.s32 v6, v2;
	v6 =	vld [tilespmem:s31+$0x8050]  }
0x78: {  	vm6 =	vmor vm3, vm6;
	vm5 =	vmand vm5, vm0;
	vm7 =	vmand vm15, vm7  }
0x79: {  	s4 =	simm.s32 $0x400;
	s0 =	simm.s32 $0x100;
	vm3 =	vgt.f32 v11, $5.000000000e-01;
	vm6 =	vmand vm6, vm4;
	vm5 =	vmor vm5, vm7  }
0x7a: {  	s1 =	simm.s32 $0x600;
	s3 =	sand.u32 $0x7000, s4;
	s4 =	sand.u32 $0x380, s0;
	vm4 =	vmand vm3, vm1;
	v8 =	vnsel vm6, $0x0, v1;
	v9, _, _ =	vpop (xrf0);
	vm5 =	vmand vm6, vm5  }
.LBB2_4:
0x7b: {  	p0 =	sne.s32 s1, $0x7E00;
	s3 =	sor.u32 s4, s3;
	v9 =	vbroadcast v9, $0xF;
	v10, _, _ =	vpop (xrf0);
	v7 =	vadd.f32 v8, v7;
	v8 =	vsel vm5, $0x3F800000, v0  }
0x7c: {  	vm5 =	vmand vm3, vm0;
	v11 =	vld [tilespmem:s3+$0x8030];
	v10 =	vbroadcast v10, $0xF;
	v12, _, _ =	vpop (xrf0);
	v6 =	vadd.f32 v8, v6  }
0x7d: {  	vm3 =	vmand vm3, vm2;
	v8 =	vld [tilespmem:s3+$0x8020];
	v12 =	vbroadcast v12, $0xF;
	vm6 =	veq.f32 v3, v9;
	[tilespmem:s31+$0x8040] =	vst v7  }
0x7e: {  	v9 =	vld [tilespmem:s3+$0x8010];
	vm7 =	veq.f32 v4, v10;
	v14 =	vmctz.xlane vm6;
	v10 =	vmpcnt.ones.xlane vm4;
	[tilespmem:s31+$0x8050] =	vst v6;
	s31 =	smov.u32 s30;
	s30 =	smov.u32 s3  }
0x7f: {  	vm4 =	veq.f32 v5, v12;
	v16 =	vmctz.xlane vm7;
	v5 =	vmpcnt.ones.xlane vm5  }
0x80: {  	v7 =	vmpcnt.ones.xlane vm3;
	v6 =	vmctz.xlane vm4;
	vm4 =	vlt.s32 v14, $0x7  }
0x81: {  	v12 =	vld [tilespmem:s30+$0x8000];
	(xrf0) =	vmax.scan.msk.f32 $0xffff, v11;
	v15 =	vshll.u32 v16, $0x4;
	v13 =	vnsel vm4, $0x7, v14;
	vm3 =	vgt.s32 v5, $0x0;
	v3 =	vmovc v11  }
0x82: {  	vm4 =	vgt.s32 v7, $0x0;
	(xrf0) =	vmax.scan.msk.f32 $0xffff, v8;
	v11 =	vadd.s32 v6, v15;
	v6 =	vadd.s32 $0x4, v13;
	v4 =	vmovc v8  }
.Ltmp1:
0x83: {  	vm5 =	vmand vm3, vm4;
	(xrf0) =	vmax.scan.msk.f32 $0xffff, v9;
	v8 =	vshrl.u32 v11, v6;
	v7 =	vld [tilespmem:s31+$0x8040];
	v5 =	vmov v9;
	(pc) =	sbr.rel @p0 .LBB2_4-.Ltmp1, $4  }
0x84: {  	vm6 =	vgt.s32 v10, $0x0;
	vm8 =	vmneg vm5;
	v6 =	vld [tilespmem:s31+$0x8050];
	vm7 =	veq.s32 v8, v2  }
0x85: {  	vm6 =	vmor vm3, vm6;
	vm5 =	vmand vm5, vm0;
	vm7 =	vmand vm8, vm7  }
0x86: {  	s0 =	sadd.s32 $0x80, s0;
	vm6 =	vmand vm6, vm4;
	vm3 =	vgt.f32 v12, $5.000000000e-01;
	vm5 =	vmor vm5, vm7  }
0x87: {  	s4 =	sand.u32 $0x380, s0;
	s3 =	sand.u32 $0x7000, s1;
	s1 =	sadd.s32 $0x200, s1;
	v8 =	vnsel vm6, $0x0, v1;
	vm4 =	vmand vm3, vm1;
	v9, _, _ =	vpop (xrf0);
	vm5 =	vmand vm6, vm5  }
0x88: {  	s0 =	sor.u32 s4, s3;
	v9 =	vbroadcast v9, $0xF;
	v10, _, _ =	vpop (xrf0);
	v7 =	vadd.f32 v8, v7;
	v8 =	vsel vm5, $0x3F800000, v0  }
0x89: {  	vm5 =	vmand vm3, vm0;
	vm3 =	vmand vm3, vm2;
	v11 =	vld [tilespmem:s0+$0x8030];
	v10 =	vbroadcast v10, $0xF;
	v12, _, _ =	vpop (xrf0)  }
0x8a: {  	v6 =	vadd.f32 v8, v6;
	v8 =	vld [tilespmem:s0+$0x8020];
	v12 =	vbroadcast v12, $0xF;
	vm6 =	veq.f32 v3, v9;
	[tilespmem:s31+$0x8040] =	vst v7  }
0x8b: {  	v7 =	vmpcnt.ones.xlane vm4;
	v3 =	vld [tilespmem:s0+$0x8010];
	vm7 =	veq.f32 v4, v10;
	v4 =	vmctz.xlane vm6  }
0x8c: {  	v9 =	vmpcnt.ones.xlane vm5;
	vm4 =	veq.f32 v5, v12;
	v5 =	vmctz.xlane vm7  }
0x8d: {  	[tilespmem:s31+$0x8050] =	vst v6;
	v10 =	vmpcnt.ones.xlane vm3;
	v6 =	vmctz.xlane vm4;
	vm4 =	vlt.s32 v4, $0x7  }
0x8e: {  	v62 =	vld [tilespmem:s0+$0x8000];
	vm3 =	vgt.s32 v9, $0x0;
	(xrf0) =	vmax.scan.msk.f32 $0xffff, v11;
	v5 =	vshll.u32 v5, $0x4;
	v4 =	vnsel vm4, $0x7, v4  }
0x8f: {  	vm4 =	vgt.s32 v10, $0x0;
	(xrf0) =	vmax.scan.msk.f32 $0xffff, v8;
	v5 =	vadd.s32 v6, v5;
	v4 =	vadd.s32 $0x4, v4  }
0x90: {  	vm6 =	vgt.s32 v7, $0x0;
	vm5 =	vmand vm3, vm4;
	(xrf0) =	vmax.scan.msk.f32 $0xffff, v3;
	v4 =	vshrl.u32 v5, v4;
	v5 =	vld [tilespmem:s30+$0x8040]  }
0x91: {  	vm3 =	vmor vm3, vm6;
	vm8 =	vmneg vm5  }
0x92: {  	v6 =	vld [tilespmem:s30+$0x8050];
	vm5 =	vmand vm5, vm0;
	vm3 =	vmand vm3, vm4;
	vm7 =	veq.s32 v4, v2  }
0x93: {  	v7 =	vnsel vm3, $0x0, v1;
	vm6 =	vmand vm8, vm7;
	vm7 =	vgt.f32 v62, $5.000000000e-01  }
0x94: {  	vm4 =	vmor vm5, vm6;
	vm5 =	vmand vm7, vm1;
	vm6 =	vmand vm7, vm2;
	v4, _, _ =	vpop (xrf0)  }
0x95: {  	vm3 =	vmand vm3, vm4;
	v4 =	vbroadcast v4, $0xF;
	v9, _, _ =	vpop (xrf0);
	v5 =	vadd.f32 v7, v5  }
0x96: {  	v7 =	vsel vm3, $0x3F800000, v0;
	vm3 =	vmand vm7, vm0;
	v9 =	vbroadcast v9, $0xF;
	v10, _, _ =	vpop (xrf0)  }
0x97: {  	v6 =	vadd.f32 v7, v6;
	v7 =	vbroadcast v10, $0xF;
	vm4 =	veq.f32 v11, v4  }
0x98: {  	v10 =	vmpcnt.ones.xlane vm6;
	vm7 =	veq.f32 v8, v9;
	v4 =	vmctz.xlane vm4  }
0x99: {  	v8 =	vmpcnt.ones.xlane vm5;
	vm4 =	veq.f32 v3, v7;
	v3 =	vmctz.xlane vm7  }
0x9a: {  	v7 =	vmpcnt.ones.xlane vm3;
	v9 =	vmctz.xlane vm4;
	vm3 =	vlt.s32 v4, $0x7  }
0x9b: {  	[tilespmem:s30+$0x8040] =	vst v5;
	vm4 =	vgt.s32 v10, $0x0;
	v3 =	vshll.u32 v3, $0x4;
	v4 =	vnsel vm3, $0x7, v4  }
0x9c: {  	[tilespmem:s30+$0x8050] =	vst v6;
	vm3 =	vgt.s32 v7, $0x0;
	v3 =	vadd.s32 v9, v3;
	v4 =	vadd.s32 $0x4, v4  }
0x9d: {  	vm5 =	vmand vm3, vm4;
	v3 =	vshrl.u32 v3, v4;
	v4 =	vld [tilespmem:s0+$0x8040]  }
0x9e: {  	v5 =	vld [tilespmem:s0+$0x8050];
	vm6 =	vgt.s32 v8, $0x0;
	vm14 =	vmneg vm5;
	vm7 =	veq.s32 v3, v2  }
0x9f: {  	vm3 =	vmor vm3, vm6;
	vm5 =	vmand vm5, vm0;
	vm6 =	vmand vm14, vm7  }
0xa0: {  	vm3 =	vmand vm3, vm4;
	vm4 =	vmor vm5, vm6  }
0xa1: {  	v3 =	vnsel vm3, $0x0, v1;
	vm3 =	vmand vm3, vm4  }
0xa2: {  	v3 =	vadd.f32 v3, v4;
	v4 =	vsel vm3, $0x3F800000, v0  }
0xa3: {  	v4 =	vadd.f32 v4, v5  }
0xa4: {  	[tilespmem:s0+$0x8040] =	vst v3  }
0xa5: {  	s4 =	simm.s32 $0x0;
	[tilespmem:s0+$0x8050] =	vst v4  }
0xa6: {  	[hbm4b:s7+s4] =	stream.linear.scatter [tilespmem:s20], [sflag:$0x5], $0x8000, $0x38;
	[tilespmem:$0x18000] =	vst v63  }
0xa7: {  	_ =	swait.ge [sflag:s24], $0x8000  }
0xa8: {  	[sflag:s24] =	ssyncset.done $0x0  }
0xa9: {  	[sflag:s24] =	ssyncadd.s32 $0xFFFF8000  }
0xaa: {  	[tilespmem:s4], [sflag:$0x1] =	stream.linear.gather [hbm4b:s8+s4], $0x8000, $0x38;
	[tilespmem:$0x18000] =	vst v63  }
0xab: {  	_ =	swait.ge [sflag:s25], $0x8000  }
0xac: {  	s1 =	sand.u32 $0x7000, s4;
	s0 =	sand.u32 $0x380, s4;
	[sflag:s25] =	ssyncset.done $0x0  }
0xad: {  	s31 =	sor.u32 s0, s1;
	[sflag:s25] =	ssyncadd.s32 $0xFFFF8000  }
0xae: {  	v4 =	vld [tilespmem:s31+$0x10030]  }
0xaf: {  	v5 =	vld [tilespmem:s31+$0x10020]  }
0xb0: {  	v6 =	vld [tilespmem:s31+$0x10010];
	_ =	sdelay $0x2  }
0xb1: {  	(xrf0) =	vmax.scan.msk.f32 $0xffff, v4  }
0xb2: {  	(xrf0) =	vmax.scan.msk.f32 $0xffff, v5  }
0xb3: {  	(xrf0) =	vmax.scan.msk.f32 $0xffff, v6;
	_ =	sdelay $0x1  }
0xb4: {  	v3 =	vld [tilespmem:s31+$0x10000];
	_ =	sdelay $0x1  }
0xb5: {  	v7, _, _ =	vpop (xrf0)  }
0xb6: {  	v7 =	vbroadcast v7, $0xF;
	v8, _, _ =	vpop (xrf0)  }
0xb7: {  	s3 =	simm.s32 $0x80;
	s1 =	simm.s32 $0x200;
	v8 =	vbroadcast v8, $0xF;
	v9, _, _ =	vpop (xrf0)  }
0xb8: {  	s0 =	sand.u32 $0x7000, s1;
	s1 =	sand.u32 $0x380, s3;
	vm3 =	vgt.f32 v3, $5.000000000e-01;
	v9 =	vbroadcast v9, $0xF;
	vm6 =	veq.f32 v4, v7  }
0xb9: {  	s30 =	sor.u32 s1, s0;
	vm4 =	vmand vm3, vm1;
	vm7 =	veq.f32 v5, v8;
	v5 =	vmctz.xlane vm6  }
0xba: {  	v3 =	vld [tilespmem:s30+$0x10030];
	v7 =	vmpcnt.ones.xlane vm4;
	vm4 =	veq.f32 v6, v9  }
0xbb: {  	v4 =	vld [tilespmem:s30+$0x10020];
	v9 =	vmctz.xlane vm4;
	vm4 =	vlt.s32 v5, $0x7  }
0xbc: {  	vm5 =	vmand vm3, vm0;
	v63 =	vnsel vm4, $0x7, v5;
	v5 =	vld [tilespmem:s30+$0x10010]  }
0xbd: {  	vm3 =	vmand vm3, vm2;
	v8 =	vmpcnt.ones.xlane vm5;
	v6 =	vmctz.xlane vm7  }
0xbe: {  	v10 =	vmpcnt.ones.xlane vm3  }
0xbf: {  	v11 =	vld [tilespmem:s30+$0x10000];
	(xrf0) =	vmax.scan.msk.f32 $0xffff, v3;
	vm3 =	vgt.s32 v8, $0x0;
	v6 =	vshll.u32 v6, $0x4  }
0xc0: {  	vm4 =	vgt.s32 v10, $0x0;
	v6 =	vadd.s32 v9, v6;
	v8 =	vadd.s32 $0x4, v63;
	(xrf0) =	vmax.scan.msk.f32 $0xffff, v4  }
0xc1: {  	vm6 =	vgt.s32 v7, $0x0;
	v7 =	vld [tilespmem:s31+$0x10040];
	vm5 =	vmand vm3, vm4;
	v6 =	vshrl.u32 v6, v8;
	(xrf0) =	vmax.scan.msk.f32 $0xffff, v5  }
0xc2: {  	vm15 =	vmneg vm5;
	vm7 =	veq.s32 v6, v2;
	v6 =	vld [tilespmem:s31+$0x10050]  }
0xc3: {  	vm6 =	vmor vm3, vm6;
	vm5 =	vmand vm5, vm0;
	vm7 =	vmand vm15, vm7  }
0xc4: {  	s0 =	simm.s32 $0x100;
	s4 =	simm.s32 $0x400;
	vm3 =	vgt.f32 v11, $5.000000000e-01;
	vm6 =	vmand vm6, vm4;
	vm5 =	vmor vm5, vm7  }
0xc5: {  	s1 =	simm.s32 $0x600;
	s3 =	sand.u32 $0x7000, s4;
	s4 =	sand.u32 $0x380, s0;
	vm4 =	vmand vm3, vm1;
	v8 =	vnsel vm6, $0x0, v1;
	v9, _, _ =	vpop (xrf0);
	vm5 =	vmand vm6, vm5  }
.LBB2_6:
0xc6: {  	p0 =	sne.s32 s1, $0x7E00;
	s3 =	sor.u32 s4, s3;
	v9 =	vbroadcast v9, $0xF;
	v10, _, _ =	vpop (xrf0);
	v7 =	vadd.f32 v8, v7;
	v8 =	vsel vm5, $0x3F800000, v0  }
0xc7: {  	vm5 =	vmand vm3, vm0;
	v11 =	vld [tilespmem:s3+$0x10030];
	v10 =	vbroadcast v10, $0xF;
	v12, _, _ =	vpop (xrf0);
	v6 =	vadd.f32 v8, v6  }
0xc8: {  	vm3 =	vmand vm3, vm2;
	v8 =	vld [tilespmem:s3+$0x10020];
	v12 =	vbroadcast v12, $0xF;
	vm6 =	veq.f32 v3, v9;
	[tilespmem:s31+$0x10040] =	vst v7  }
0xc9: {  	v9 =	vld [tilespmem:s3+$0x10010];
	vm7 =	veq.f32 v4, v10;
	v14 =	vmctz.xlane vm6;
	v10 =	vmpcnt.ones.xlane vm4;
	[tilespmem:s31+$0x10050] =	vst v6;
	s31 =	smov.u32 s30;
	s30 =	smov.u32 s3  }
0xca: {  	vm4 =	veq.f32 v5, v12;
	v16 =	vmctz.xlane vm7;
	v5 =	vmpcnt.ones.xlane vm5  }
0xcb: {  	v7 =	vmpcnt.ones.xlane vm3;
	v6 =	vmctz.xlane vm4;
	vm4 =	vlt.s32 v14, $0x7  }
0xcc: {  	v12 =	vld [tilespmem:s30+$0x10000];
	(xrf0) =	vmax.scan.msk.f32 $0xffff, v11;
	v15 =	vshll.u32 v16, $0x4;
	v13 =	vnsel vm4, $0x7, v14;
	vm3 =	vgt.s32 v5, $0x0;
	v3 =	vmovc v11  }
0xcd: {  	vm4 =	vgt.s32 v7, $0x0;
	(xrf0) =	vmax.scan.msk.f32 $0xffff, v8;
	v11 =	vadd.s32 v6, v15;
	v6 =	vadd.s32 $0x4, v13;
	v4 =	vmovc v8  }
.Ltmp2:
0xce: {  	vm5 =	vmand vm3, vm4;
	(xrf0) =	vmax.scan.msk.f32 $0xffff, v9;
	v8 =	vshrl.u32 v11, v6;
	v7 =	vld [tilespmem:s31+$0x10040];
	v5 =	vmov v9;
	(pc) =	sbr.rel @p0 .LBB2_6-.Ltmp2, $4  }
0xcf: {  	vm6 =	vgt.s32 v10, $0x0;
	vm8 =	vmneg vm5;
	v6 =	vld [tilespmem:s31+$0x10050];
	vm7 =	veq.s32 v8, v2  }
0xd0: {  	vm6 =	vmor vm3, vm6;
	vm5 =	vmand vm5, vm0;
	vm7 =	vmand vm8, vm7  }
0xd1: {  	s0 =	sadd.s32 $0x80, s0;
	vm6 =	vmand vm6, vm4;
	vm3 =	vgt.f32 v12, $5.000000000e-01;
	vm5 =	vmor vm5, vm7  }
0xd2: {  	s4 =	sand.u32 $0x380, s0;
	s3 =	sand.u32 $0x7000, s1;
	s1 =	sadd.s32 $0x200, s1;
	v8 =	vnsel vm6, $0x0, v1;
	vm4 =	vmand vm3, vm1;
	v9, _, _ =	vpop (xrf0);
	vm5 =	vmand vm6, vm5  }
0xd3: {  	s0 =	sor.u32 s4, s3;
	v9 =	vbroadcast v9, $0xF;
	v10, _, _ =	vpop (xrf0);
	v7 =	vadd.f32 v8, v7;
	v8 =	vsel vm5, $0x3F800000, v0  }
0xd4: {  	vm5 =	vmand vm3, vm0;
	vm3 =	vmand vm3, vm2;
	v11 =	vld [tilespmem:s0+$0x10030];
	v10 =	vbroadcast v10, $0xF;
	v12, _, _ =	vpop (xrf0)  }
0xd5: {  	v6 =	vadd.f32 v8, v6;
	v8 =	vld [tilespmem:s0+$0x10020];
	v12 =	vbroadcast v12, $0xF;
	vm6 =	veq.f32 v3, v9;
	[tilespmem:s31+$0x10040] =	vst v7  }
0xd6: {  	v7 =	vmpcnt.ones.xlane vm4;
	v3 =	vld [tilespmem:s0+$0x10010];
	vm7 =	veq.f32 v4, v10;
	v4 =	vmctz.xlane vm6  }
0xd7: {  	v9 =	vmpcnt.ones.xlane vm5;
	vm4 =	veq.f32 v5, v12;
	v5 =	vmctz.xlane vm7  }
0xd8: {  	[tilespmem:s31+$0x10050] =	vst v6;
	v10 =	vmpcnt.ones.xlane vm3;
	v6 =	vmctz.xlane vm4;
	vm4 =	vlt.s32 v4, $0x7  }
0xd9: {  	v62 =	vld [tilespmem:s0+$0x10000];
	vm3 =	vgt.s32 v9, $0x0;
	(xrf0) =	vmax.scan.msk.f32 $0xffff, v11;
	v5 =	vshll.u32 v5, $0x4;
	v4 =	vnsel vm4, $0x7, v4  }
0xda: {  	vm4 =	vgt.s32 v10, $0x0;
	(xrf0) =	vmax.scan.msk.f32 $0xffff, v8;
	v5 =	vadd.s32 v6, v5;
	v4 =	vadd.s32 $0x4, v4  }
0xdb: {  	vm6 =	vgt.s32 v7, $0x0;
	vm5 =	vmand vm3, vm4;
	(xrf0) =	vmax.scan.msk.f32 $0xffff, v3;
	v4 =	vshrl.u32 v5, v4;
	v5 =	vld [tilespmem:s30+$0x10040]  }
0xdc: {  	vm3 =	vmor vm3, vm6;
	vm8 =	vmneg vm5  }
0xdd: {  	v6 =	vld [tilespmem:s30+$0x10050];
	vm5 =	vmand vm5, vm0;
	vm3 =	vmand vm3, vm4;
	vm7 =	veq.s32 v4, v2  }
0xde: {  	v7 =	vnsel vm3, $0x0, v1;
	vm6 =	vmand vm8, vm7;
	vm7 =	vgt.f32 v62, $5.000000000e-01  }
0xdf: {  	vm4 =	vmor vm5, vm6;
	vm5 =	vmand vm7, vm1;
	vm6 =	vmand vm7, vm2;
	v4, _, _ =	vpop (xrf0)  }
0xe0: {  	vm3 =	vmand vm3, vm4;
	v4 =	vbroadcast v4, $0xF;
	v9, _, _ =	vpop (xrf0);
	v5 =	vadd.f32 v7, v5  }
0xe1: {  	v7 =	vsel vm3, $0x3F800000, v0;
	vm3 =	vmand vm7, vm0;
	v9 =	vbroadcast v9, $0xF;
	v10, _, _ =	vpop (xrf0)  }
0xe2: {  	v6 =	vadd.f32 v7, v6;
	v7 =	vbroadcast v10, $0xF;
	vm4 =	veq.f32 v11, v4  }
0xe3: {  	v10 =	vmpcnt.ones.xlane vm6;
	vm7 =	veq.f32 v8, v9;
	v4 =	vmctz.xlane vm4  }
0xe4: {  	v8 =	vmpcnt.ones.xlane vm5;
	vm4 =	veq.f32 v3, v7;
	v3 =	vmctz.xlane vm7  }
0xe5: {  	v7 =	vmpcnt.ones.xlane vm3;
	v9 =	vmctz.xlane vm4;
	vm3 =	vlt.s32 v4, $0x7  }
0xe6: {  	[tilespmem:s30+$0x10040] =	vst v5;
	vm4 =	vgt.s32 v10, $0x0;
	v3 =	vshll.u32 v3, $0x4;
	v4 =	vnsel vm3, $0x7, v4  }
0xe7: {  	[tilespmem:s30+$0x10050] =	vst v6;
	vm3 =	vgt.s32 v7, $0x0;
	v3 =	vadd.s32 v9, v3;
	v4 =	vadd.s32 $0x4, v4  }
0xe8: {  	vm5 =	vmand vm3, vm4;
	v3 =	vshrl.u32 v3, v4;
	v4 =	vld [tilespmem:s0+$0x10040]  }
0xe9: {  	v5 =	vld [tilespmem:s0+$0x10050];
	vm6 =	vgt.s32 v8, $0x0;
	vm14 =	vmneg vm5;
	vm7 =	veq.s32 v3, v2  }
0xea: {  	vm3 =	vmor vm3, vm6;
	vm5 =	vmand vm5, vm0;
	vm6 =	vmand vm14, vm7  }
0xeb: {  	vm3 =	vmand vm3, vm4;
	vm4 =	vmor vm5, vm6  }
0xec: {  	v3 =	vnsel vm3, $0x0, v1;
	vm3 =	vmand vm3, vm4  }
0xed: {  	v3 =	vadd.f32 v3, v4;
	v4 =	vsel vm3, $0x3F800000, v0  }
0xee: {  	v4 =	vadd.f32 v4, v5  }
0xef: {  	[tilespmem:s0+$0x10040] =	vst v3  }
0xf0: {  	s4 =	simm.s32 $0x0;
	[tilespmem:s0+$0x10050] =	vst v4  }
0xf1: {  	[hbm4b:s9+s4] =	stream.linear.scatter [tilespmem:s22], [sflag:$0x6], $0x8000, $0x38;
	[tilespmem:$0x18000] =	vst v63  }
0xf2: {  	_ =	swait.ge [sflag:s26], $0x8000  }
0xf3: {  	[sflag:s26] =	ssyncset.done $0x0  }
0xf4: {  	[sflag:s26] =	ssyncadd.s32 $0xFFFF8000  }
0xf5: {  	[tilespmem:s20], [sflag:$0x2] =	stream.linear.gather [hbm4b:s10+s4], $0x8000, $0x38;
	[tilespmem:$0x18000] =	vst v63  }
0xf6: {  	_ =	swait.ge [sflag:s21], $0x8000  }
0xf7: {  	s1 =	sand.u32 $0x7000, s4;
	s0 =	sand.u32 $0x380, s4;
	[sflag:s21] =	ssyncset.done $0x0  }
0xf8: {  	s31 =	sor.u32 s0, s1;
	[sflag:s21] =	ssyncadd.s32 $0xFFFF8000  }
0xf9: {  	v4 =	vld [tilespmem:s31+$0x30]  }
0xfa: {  	v5 =	vld [tilespmem:s31+$0x20]  }
0xfb: {  	v6 =	vld [tilespmem:s31+$0x10];
	_ =	sdelay $0x2  }
0xfc: {  	(xrf0) =	vmax.scan.msk.f32 $0xffff, v4  }
0xfd: {  	(xrf0) =	vmax.scan.msk.f32 $0xffff, v5  }
0xfe: {  	(xrf0) =	vmax.scan.msk.f32 $0xffff, v6;
	_ =	sdelay $0x1  }
0xff: {  	v3 =	vld [tilespmem:s31+$0x0];
	_ =	sdelay $0x1  }
0x100: {  	v7, _, _ =	vpop (xrf0)  }
0x101: {  	v7 =	vbroadcast v7, $0xF;
	v8, _, _ =	vpop (xrf0)  }
0x102: {  	s3 =	simm.s32 $0x80;
	s1 =	simm.s32 $0x200;
	v8 =	vbroadcast v8, $0xF;
	v9, _, _ =	vpop (xrf0)  }
0x103: {  	s0 =	sand.u32 $0x7000, s1;
	s1 =	sand.u32 $0x380, s3;
	vm3 =	vgt.f32 v3, $5.000000000e-01;
	v9 =	vbroadcast v9, $0xF;
	vm6 =	veq.f32 v4, v7  }
0x104: {  	s30 =	sor.u32 s1, s0;
	vm4 =	vmand vm3, vm1;
	vm7 =	veq.f32 v5, v8;
	v5 =	vmctz.xlane vm6  }
0x105: {  	v3 =	vld [tilespmem:s30+$0x30];
	v7 =	vmpcnt.ones.xlane vm4;
	vm4 =	veq.f32 v6, v9  }
0x106: {  	v4 =	vld [tilespmem:s30+$0x20];
	v9 =	vmctz.xlane vm4;
	vm4 =	vlt.s32 v5, $0x7  }
0x107: {  	vm5 =	vmand vm3, vm0;
	v63 =	vnsel vm4, $0x7, v5;
	v5 =	vld [tilespmem:s30+$0x10]  }
0x108: {  	vm3 =	vmand vm3, vm2;
	v8 =	vmpcnt.ones.xlane vm5;
	v6 =	vmctz.xlane vm7  }
0x109: {  	v10 =	vmpcnt.ones.xlane vm3  }
0x10a: {  	v11 =	vld [tilespmem:s30+$0x0];
	(xrf0) =	vmax.scan.msk.f32 $0xffff, v3;
	vm3 =	vgt.s32 v8, $0x0;
	v6 =	vshll.u32 v6, $0x4  }
0x10b: {  	vm4 =	vgt.s32 v10, $0x0;
	v6 =	vadd.s32 v9, v6;
	v8 =	vadd.s32 $0x4, v63;
	(xrf0) =	vmax.scan.msk.f32 $0xffff, v4  }
0x10c: {  	vm6 =	vgt.s32 v7, $0x0;
	v7 =	vld [tilespmem:s31+$0x40];
	vm5 =	vmand vm3, vm4;
	v6 =	vshrl.u32 v6, v8;
	(xrf0) =	vmax.scan.msk.f32 $0xffff, v5  }
0x10d: {  	vm15 =	vmneg vm5;
	vm7 =	veq.s32 v6, v2;
	v6 =	vld [tilespmem:s31+$0x50]  }
0x10e: {  	vm6 =	vmor vm3, vm6;
	vm5 =	vmand vm5, vm0;
	vm7 =	vmand vm15, vm7  }
0x10f: {  	s0 =	simm.s32 $0x100;
	s4 =	simm.s32 $0x400;
	vm3 =	vgt.f32 v11, $5.000000000e-01;
	vm6 =	vmand vm6, vm4;
	vm5 =	vmor vm5, vm7  }
0x110: {  	s1 =	simm.s32 $0x600;
	s3 =	sand.u32 $0x7000, s4;
	s4 =	sand.u32 $0x380, s0;
	vm4 =	vmand vm3, vm1;
	v8 =	vnsel vm6, $0x0, v1;
	v9, _, _ =	vpop (xrf0);
	vm5 =	vmand vm6, vm5  }
.LBB2_8:
0x111: {  	p0 =	sne.s32 s1, $0x7E00;
	s3 =	sor.u32 s4, s3;
	v9 =	vbroadcast v9, $0xF;
	v10, _, _ =	vpop (xrf0);
	v7 =	vadd.f32 v8, v7;
	v8 =	vsel vm5, $0x3F800000, v0  }
0x112: {  	vm5 =	vmand vm3, vm0;
	v11 =	vld [tilespmem:s3+$0x30];
	v10 =	vbroadcast v10, $0xF;
	v12, _, _ =	vpop (xrf0);
	v6 =	vadd.f32 v8, v6  }
0x113: {  	vm3 =	vmand vm3, vm2;
	v8 =	vld [tilespmem:s3+$0x20];
	v12 =	vbroadcast v12, $0xF;
	vm6 =	veq.f32 v3, v9;
	[tilespmem:s31+$0x40] =	vst v7  }
0x114: {  	v9 =	vld [tilespmem:s3+$0x10];
	vm7 =	veq.f32 v4, v10;
	v14 =	vmctz.xlane vm6;
	v10 =	vmpcnt.ones.xlane vm4;
	[tilespmem:s31+$0x50] =	vst v6;
	s31 =	smov.u32 s30;
	s30 =	smov.u32 s3  }
0x115: {  	vm4 =	veq.f32 v5, v12;
	v16 =	vmctz.xlane vm7;
	v5 =	vmpcnt.ones.xlane vm5  }
0x116: {  	v7 =	vmpcnt.ones.xlane vm3;
	v6 =	vmctz.xlane vm4;
	vm4 =	vlt.s32 v14, $0x7  }
0x117: {  	v12 =	vld [tilespmem:s30+$0x0];
	(xrf0) =	vmax.scan.msk.f32 $0xffff, v11;
	v15 =	vshll.u32 v16, $0x4;
	v13 =	vnsel vm4, $0x7, v14;
	vm3 =	vgt.s32 v5, $0x0;
	v3 =	vmovc v11  }
0x118: {  	vm4 =	vgt.s32 v7, $0x0;
	(xrf0) =	vmax.scan.msk.f32 $0xffff, v8;
	v11 =	vadd.s32 v6, v15;
	v6 =	vadd.s32 $0x4, v13;
	v4 =	vmovc v8  }
.Ltmp3:
0x119: {  	vm5 =	vmand vm3, vm4;
	(xrf0) =	vmax.scan.msk.f32 $0xffff, v9;
	v8 =	vshrl.u32 v11, v6;
	v7 =	vld [tilespmem:s31+$0x40];
	v5 =	vmov v9;
	(pc) =	sbr.rel @p0 .LBB2_8-.Ltmp3, $4  }
0x11a: {  	vm6 =	vgt.s32 v10, $0x0;
	vm8 =	vmneg vm5;
	v6 =	vld [tilespmem:s31+$0x50];
	vm7 =	veq.s32 v8, v2  }
0x11b: {  	vm6 =	vmor vm3, vm6;
	vm5 =	vmand vm5, vm0;
	vm7 =	vmand vm8, vm7  }
0x11c: {  	s0 =	sadd.s32 $0x80, s0;
	vm6 =	vmand vm6, vm4;
	vm3 =	vgt.f32 v12, $5.000000000e-01;
	vm5 =	vmor vm5, vm7  }
0x11d: {  	s4 =	sand.u32 $0x380, s0;
	s3 =	sand.u32 $0x7000, s1;
	s1 =	sadd.s32 $0x200, s1;
	v8 =	vnsel vm6, $0x0, v1;
	vm4 =	vmand vm3, vm1;
	v9, _, _ =	vpop (xrf0);
	vm5 =	vmand vm6, vm5  }
0x11e: {  	s0 =	sor.u32 s4, s3;
	v9 =	vbroadcast v9, $0xF;
	v10, _, _ =	vpop (xrf0);
	v7 =	vadd.f32 v8, v7;
	v8 =	vsel vm5, $0x3F800000, v0  }
0x11f: {  	vm5 =	vmand vm3, vm0;
	vm3 =	vmand vm3, vm2;
	v11 =	vld [tilespmem:s0+$0x30];
	v10 =	vbroadcast v10, $0xF;
	v12, _, _ =	vpop (xrf0)  }
0x120: {  	v6 =	vadd.f32 v8, v6;
	v8 =	vld [tilespmem:s0+$0x20];
	v12 =	vbroadcast v12, $0xF;
	vm6 =	veq.f32 v3, v9;
	[tilespmem:s31+$0x40] =	vst v7  }
0x121: {  	v7 =	vmpcnt.ones.xlane vm4;
	v3 =	vld [tilespmem:s0+$0x10];
	vm7 =	veq.f32 v4, v10;
	v4 =	vmctz.xlane vm6  }
0x122: {  	v9 =	vmpcnt.ones.xlane vm5;
	vm4 =	veq.f32 v5, v12;
	v5 =	vmctz.xlane vm7  }
0x123: {  	[tilespmem:s31+$0x50] =	vst v6;
	v10 =	vmpcnt.ones.xlane vm3;
	v6 =	vmctz.xlane vm4;
	vm4 =	vlt.s32 v4, $0x7  }
0x124: {  	v62 =	vld [tilespmem:s0+$0x0];
	vm3 =	vgt.s32 v9, $0x0;
	(xrf0) =	vmax.scan.msk.f32 $0xffff, v11;
	v5 =	vshll.u32 v5, $0x4;
	v4 =	vnsel vm4, $0x7, v4  }
0x125: {  	vm4 =	vgt.s32 v10, $0x0;
	(xrf0) =	vmax.scan.msk.f32 $0xffff, v8;
	v5 =	vadd.s32 v6, v5;
	v4 =	vadd.s32 $0x4, v4  }
0x126: {  	vm6 =	vgt.s32 v7, $0x0;
	vm5 =	vmand vm3, vm4;
	(xrf0) =	vmax.scan.msk.f32 $0xffff, v3;
	v4 =	vshrl.u32 v5, v4;
	v5 =	vld [tilespmem:s30+$0x40]  }
0x127: {  	vm3 =	vmor vm3, vm6;
	vm8 =	vmneg vm5  }
0x128: {  	v6 =	vld [tilespmem:s30+$0x50];
	vm5 =	vmand vm5, vm0;
	vm3 =	vmand vm3, vm4;
	vm7 =	veq.s32 v4, v2  }
0x129: {  	v7 =	vnsel vm3, $0x0, v1;
	vm6 =	vmand vm8, vm7;
	vm7 =	vgt.f32 v62, $5.000000000e-01  }
0x12a: {  	vm4 =	vmor vm5, vm6;
	vm5 =	vmand vm7, vm1;
	vm6 =	vmand vm7, vm2;
	v4, _, _ =	vpop (xrf0)  }
0x12b: {  	vm3 =	vmand vm3, vm4;
	v4 =	vbroadcast v4, $0xF;
	v9, _, _ =	vpop (xrf0);
	v5 =	vadd.f32 v7, v5  }
0x12c: {  	v7 =	vsel vm3, $0x3F800000, v0;
	vm3 =	vmand vm7, vm0;
	v9 =	vbroadcast v9, $0xF;
	v10, _, _ =	vpop (xrf0)  }
0x12d: {  	v6 =	vadd.f32 v7, v6;
	v7 =	vbroadcast v10, $0xF;
	vm4 =	veq.f32 v11, v4  }
0x12e: {  	v10 =	vmpcnt.ones.xlane vm6;
	vm7 =	veq.f32 v8, v9;
	v4 =	vmctz.xlane vm4  }
0x12f: {  	v8 =	vmpcnt.ones.xlane vm5;
	vm4 =	veq.f32 v3, v7;
	v3 =	vmctz.xlane vm7  }
0x130: {  	v7 =	vmpcnt.ones.xlane vm3;
	v9 =	vmctz.xlane vm4;
	vm3 =	vlt.s32 v4, $0x7  }
0x131: {  	[tilespmem:s30+$0x40] =	vst v5;
	vm4 =	vgt.s32 v10, $0x0;
	v3 =	vshll.u32 v3, $0x4;
	v4 =	vnsel vm3, $0x7, v4  }
0x132: {  	[tilespmem:s30+$0x50] =	vst v6;
	vm3 =	vgt.s32 v7, $0x0;
	v3 =	vadd.s32 v9, v3;
	v4 =	vadd.s32 $0x4, v4  }
0x133: {  	vm5 =	vmand vm3, vm4;
	v3 =	vshrl.u32 v3, v4;
	v4 =	vld [tilespmem:s0+$0x40]  }
0x134: {  	v5 =	vld [tilespmem:s0+$0x50];
	vm6 =	vgt.s32 v8, $0x0;
	vm14 =	vmneg vm5;
	vm7 =	veq.s32 v3, v2  }
0x135: {  	vm3 =	vmor vm3, vm6;
	vm5 =	vmand vm5, vm0;
	vm6 =	vmand vm14, vm7  }
0x136: {  	vm3 =	vmand vm3, vm4;
	vm4 =	vmor vm5, vm6  }
0x137: {  	v3 =	vnsel vm3, $0x0, v1;
	vm3 =	vmand vm3, vm4  }
0x138: {  	v3 =	vadd.f32 v3, v4;
	v4 =	vsel vm3, $0x3F800000, v0  }
0x139: {  	v4 =	vadd.f32 v4, v5  }
0x13a: {  	[tilespmem:s0+$0x40] =	vst v3  }
0x13b: {  	s4 =	simm.s32 $0x0;
	[tilespmem:s0+$0x50] =	vst v4  }
0x13c: {  	[hbm4b:s11+s4] =	stream.linear.scatter [tilespmem:s4], [sflag:$0x4], $0x8000, $0x38;
	[tilespmem:$0x18000] =	vst v63  }
0x13d: {  	_ =	swait.ge [sflag:s28], $0x8000  }
0x13e: {  	[sflag:s28] =	ssyncset.done $0x0  }
0x13f: {  	[sflag:s28] =	ssyncadd.s32 $0xFFFF8000  }
0x140: {  	[tilespmem:s22], [sflag:$0x3] =	stream.linear.gather [hbm4b:s12+s4], $0x8000, $0x38;
	[tilespmem:$0x18000] =	vst v63  }
0x141: {  	_ =	swait.ge [sflag:s23], $0x8000  }
0x142: {  	s1 =	sand.u32 $0x7000, s4;
	s0 =	sand.u32 $0x380, s4;
	[sflag:s23] =	ssyncset.done $0x0  }
0x143: {  	s31 =	sor.u32 s0, s1;
	[sflag:s23] =	ssyncadd.s32 $0xFFFF8000  }
0x144: {  	v4 =	vld [tilespmem:s31+$0x8030]  }
0x145: {  	v5 =	vld [tilespmem:s31+$0x8020]  }
0x146: {  	v6 =	vld [tilespmem:s31+$0x8010];
	_ =	sdelay $0x2  }
0x147: {  	(xrf0) =	vmax.scan.msk.f32 $0xffff, v4  }
0x148: {  	(xrf0) =	vmax.scan.msk.f32 $0xffff, v5  }
0x149: {  	(xrf0) =	vmax.scan.msk.f32 $0xffff, v6;
	_ =	sdelay $0x1  }
0x14a: {  	v3 =	vld [tilespmem:s31+$0x8000];
	_ =	sdelay $0x1  }
0x14b: {  	v7, _, _ =	vpop (xrf0)  }
0x14c: {  	v7 =	vbroadcast v7, $0xF;
	v8, _, _ =	vpop (xrf0)  }
0x14d: {  	s3 =	simm.s32 $0x80;
	s1 =	simm.s32 $0x200;
	v8 =	vbroadcast v8, $0xF;
	v9, _, _ =	vpop (xrf0)  }
0x14e: {  	s0 =	sand.u32 $0x7000, s1;
	s1 =	sand.u32 $0x380, s3;
	vm3 =	vgt.f32 v3, $5.000000000e-01;
	v9 =	vbroadcast v9, $0xF;
	vm6 =	veq.f32 v4, v7  }
0x14f: {  	s30 =	sor.u32 s1, s0;
	vm4 =	vmand vm3, vm1;
	vm7 =	veq.f32 v5, v8;
	v5 =	vmctz.xlane vm6  }
0x150: {  	v3 =	vld [tilespmem:s30+$0x8030];
	v7 =	vmpcnt.ones.xlane vm4;
	vm4 =	veq.f32 v6, v9  }
0x151: {  	v4 =	vld [tilespmem:s30+$0x8020];
	v9 =	vmctz.xlane vm4;
	vm4 =	vlt.s32 v5, $0x7  }
0x152: {  	vm5 =	vmand vm3, vm0;
	v63 =	vnsel vm4, $0x7, v5;
	v5 =	vld [tilespmem:s30+$0x8010]  }
0x153: {  	vm3 =	vmand vm3, vm2;
	v8 =	vmpcnt.ones.xlane vm5;
	v6 =	vmctz.xlane vm7  }
0x154: {  	v10 =	vmpcnt.ones.xlane vm3  }
0x155: {  	v11 =	vld [tilespmem:s30+$0x8000];
	(xrf0) =	vmax.scan.msk.f32 $0xffff, v3;
	vm3 =	vgt.s32 v8, $0x0;
	v6 =	vshll.u32 v6, $0x4  }
0x156: {  	vm4 =	vgt.s32 v10, $0x0;
	v6 =	vadd.s32 v9, v6;
	v8 =	vadd.s32 $0x4, v63;
	(xrf0) =	vmax.scan.msk.f32 $0xffff, v4  }
0x157: {  	vm6 =	vgt.s32 v7, $0x0;
	v7 =	vld [tilespmem:s31+$0x8040];
	vm5 =	vmand vm3, vm4;
	v6 =	vshrl.u32 v6, v8;
	(xrf0) =	vmax.scan.msk.f32 $0xffff, v5  }
0x158: {  	vm15 =	vmneg vm5;
	vm7 =	veq.s32 v6, v2;
	v6 =	vld [tilespmem:s31+$0x8050]  }
0x159: {  	vm6 =	vmor vm3, vm6;
	vm5 =	vmand vm5, vm0;
	vm7 =	vmand vm15, vm7  }
0x15a: {  	s0 =	simm.s32 $0x100;
	s4 =	simm.s32 $0x400;
	vm3 =	vgt.f32 v11, $5.000000000e-01;
	vm6 =	vmand vm6, vm4;
	vm5 =	vmor vm5, vm7  }
0x15b: {  	s1 =	simm.s32 $0x600;
	s3 =	sand.u32 $0x7000, s4;
	s4 =	sand.u32 $0x380, s0;
	vm4 =	vmand vm3, vm1;
	v8 =	vnsel vm6, $0x0, v1;
	v9, _, _ =	vpop (xrf0);
	vm5 =	vmand vm6, vm5  }
.LBB2_10:
0x15c: {  	p0 =	sne.s32 s1, $0x7E00;
	s3 =	sor.u32 s4, s3;
	v9 =	vbroadcast v9, $0xF;
	v10, _, _ =	vpop (xrf0);
	v7 =	vadd.f32 v8, v7;
	v8 =	vsel vm5, $0x3F800000, v0  }
0x15d: {  	vm5 =	vmand vm3, vm0;
	v11 =	vld [tilespmem:s3+$0x8030];
	v10 =	vbroadcast v10, $0xF;
	v12, _, _ =	vpop (xrf0);
	v6 =	vadd.f32 v8, v6  }
0x15e: {  	vm3 =	vmand vm3, vm2;
	v8 =	vld [tilespmem:s3+$0x8020];
	v12 =	vbroadcast v12, $0xF;
	vm6 =	veq.f32 v3, v9;
	[tilespmem:s31+$0x8040] =	vst v7  }
0x15f: {  	v9 =	vld [tilespmem:s3+$0x8010];
	vm7 =	veq.f32 v4, v10;
	v14 =	vmctz.xlane vm6;
	v10 =	vmpcnt.ones.xlane vm4;
	[tilespmem:s31+$0x8050] =	vst v6;
	s31 =	smov.u32 s30;
	s30 =	smov.u32 s3  }
0x160: {  	vm4 =	veq.f32 v5, v12;
	v16 =	vmctz.xlane vm7;
	v5 =	vmpcnt.ones.xlane vm5  }
0x161: {  	v7 =	vmpcnt.ones.xlane vm3;
	v6 =	vmctz.xlane vm4;
	vm4 =	vlt.s32 v14, $0x7  }
0x162: {  	v12 =	vld [tilespmem:s30+$0x8000];
	(xrf0) =	vmax.scan.msk.f32 $0xffff, v11;
	v15 =	vshll.u32 v16, $0x4;
	v13 =	vnsel vm4, $0x7, v14;
	vm3 =	vgt.s32 v5, $0x0;
	v3 =	vmovc v11  }
0x163: {  	vm4 =	vgt.s32 v7, $0x0;
	(xrf0) =	vmax.scan.msk.f32 $0xffff, v8;
	v11 =	vadd.s32 v6, v15;
	v6 =	vadd.s32 $0x4, v13;
	v4 =	vmovc v8  }
.Ltmp4:
0x164: {  	vm5 =	vmand vm3, vm4;
	(xrf0) =	vmax.scan.msk.f32 $0xffff, v9;
	v8 =	vshrl.u32 v11, v6;
	v7 =	vld [tilespmem:s31+$0x8040];
	v5 =	vmov v9;
	(pc) =	sbr.rel @p0 .LBB2_10-.Ltmp4, $4  }
0x165: {  	vm6 =	vgt.s32 v10, $0x0;
	vm8 =	vmneg vm5;
	v6 =	vld [tilespmem:s31+$0x8050];
	vm7 =	veq.s32 v8, v2  }
0x166: {  	vm6 =	vmor vm3, vm6;
	vm5 =	vmand vm5, vm0;
	vm7 =	vmand vm8, vm7  }
0x167: {  	s0 =	sadd.s32 $0x80, s0;
	vm6 =	vmand vm6, vm4;
	vm3 =	vgt.f32 v12, $5.000000000e-01;
	vm5 =	vmor vm5, vm7  }
0x168: {  	s4 =	sand.u32 $0x380, s0;
	s3 =	sand.u32 $0x7000, s1;
	s1 =	sadd.s32 $0x200, s1;
	v8 =	vnsel vm6, $0x0, v1;
	vm4 =	vmand vm3, vm1;
	v9, _, _ =	vpop (xrf0);
	vm5 =	vmand vm6, vm5  }
0x169: {  	s0 =	sor.u32 s4, s3;
	v9 =	vbroadcast v9, $0xF;
	v10, _, _ =	vpop (xrf0);
	v7 =	vadd.f32 v8, v7;
	v8 =	vsel vm5, $0x3F800000, v0  }
0x16a: {  	vm5 =	vmand vm3, vm0;
	vm3 =	vmand vm3, vm2;
	v11 =	vld [tilespmem:s0+$0x8030];
	v10 =	vbroadcast v10, $0xF;
	v12, _, _ =	vpop (xrf0)  }
0x16b: {  	v6 =	vadd.f32 v8, v6;
	v8 =	vld [tilespmem:s0+$0x8020];
	v12 =	vbroadcast v12, $0xF;
	vm6 =	veq.f32 v3, v9;
	[tilespmem:s31+$0x8040] =	vst v7  }
0x16c: {  	v7 =	vmpcnt.ones.xlane vm4;
	v3 =	vld [tilespmem:s0+$0x8010];
	vm7 =	veq.f32 v4, v10;
	v4 =	vmctz.xlane vm6  }
0x16d: {  	v9 =	vmpcnt.ones.xlane vm5;
	vm4 =	veq.f32 v5, v12;
	v5 =	vmctz.xlane vm7  }
0x16e: {  	[tilespmem:s31+$0x8050] =	vst v6;
	v10 =	vmpcnt.ones.xlane vm3;
	v6 =	vmctz.xlane vm4;
	vm4 =	vlt.s32 v4, $0x7  }
0x16f: {  	v62 =	vld [tilespmem:s0+$0x8000];
	vm3 =	vgt.s32 v9, $0x0;
	(xrf0) =	vmax.scan.msk.f32 $0xffff, v11;
	v5 =	vshll.u32 v5, $0x4;
	v4 =	vnsel vm4, $0x7, v4  }
0x170: {  	vm4 =	vgt.s32 v10, $0x0;
	(xrf0) =	vmax.scan.msk.f32 $0xffff, v8;
	v5 =	vadd.s32 v6, v5;
	v4 =	vadd.s32 $0x4, v4  }
0x171: {  	vm6 =	vgt.s32 v7, $0x0;
	vm5 =	vmand vm3, vm4;
	(xrf0) =	vmax.scan.msk.f32 $0xffff, v3;
	v4 =	vshrl.u32 v5, v4;
	v5 =	vld [tilespmem:s30+$0x8040]  }
0x172: {  	vm3 =	vmor vm3, vm6;
	vm8 =	vmneg vm5  }
0x173: {  	v6 =	vld [tilespmem:s30+$0x8050];
	vm5 =	vmand vm5, vm0;
	vm3 =	vmand vm3, vm4;
	vm7 =	veq.s32 v4, v2  }
0x174: {  	v7 =	vnsel vm3, $0x0, v1;
	vm6 =	vmand vm8, vm7;
	vm7 =	vgt.f32 v62, $5.000000000e-01  }
0x175: {  	vm4 =	vmor vm5, vm6;
	vm5 =	vmand vm7, vm1;
	vm6 =	vmand vm7, vm2;
	v4, _, _ =	vpop (xrf0)  }
0x176: {  	vm3 =	vmand vm3, vm4;
	v4 =	vbroadcast v4, $0xF;
	v9, _, _ =	vpop (xrf0);
	v5 =	vadd.f32 v7, v5  }
0x177: {  	v7 =	vsel vm3, $0x3F800000, v0;
	vm3 =	vmand vm7, vm0;
	v9 =	vbroadcast v9, $0xF;
	v10, _, _ =	vpop (xrf0)  }
0x178: {  	v6 =	vadd.f32 v7, v6;
	v7 =	vbroadcast v10, $0xF;
	vm4 =	veq.f32 v11, v4  }
0x179: {  	v10 =	vmpcnt.ones.xlane vm6;
	vm7 =	veq.f32 v8, v9;
	v4 =	vmctz.xlane vm4  }
0x17a: {  	v8 =	vmpcnt.ones.xlane vm5;
	vm4 =	veq.f32 v3, v7;
	v3 =	vmctz.xlane vm7  }
0x17b: {  	v7 =	vmpcnt.ones.xlane vm3;
	v9 =	vmctz.xlane vm4;
	vm3 =	vlt.s32 v4, $0x7  }
0x17c: {  	[tilespmem:s30+$0x8040] =	vst v5;
	vm4 =	vgt.s32 v10, $0x0;
	v3 =	vshll.u32 v3, $0x4;
	v4 =	vnsel vm3, $0x7, v4  }
0x17d: {  	[tilespmem:s30+$0x8050] =	vst v6;
	vm3 =	vgt.s32 v7, $0x0;
	v3 =	vadd.s32 v9, v3;
	v4 =	vadd.s32 $0x4, v4  }
0x17e: {  	vm5 =	vmand vm3, vm4;
	v3 =	vshrl.u32 v3, v4;
	v4 =	vld [tilespmem:s0+$0x8040]  }
0x17f: {  	v5 =	vld [tilespmem:s0+$0x8050];
	vm6 =	vgt.s32 v8, $0x0;
	vm14 =	vmneg vm5;
	vm7 =	veq.s32 v3, v2  }
0x180: {  	vm3 =	vmor vm3, vm6;
	vm5 =	vmand vm5, vm0;
	vm6 =	vmand vm14, vm7  }
0x181: {  	vm3 =	vmand vm3, vm4;
	vm4 =	vmor vm5, vm6  }
0x182: {  	v3 =	vnsel vm3, $0x0, v1;
	vm3 =	vmand vm3, vm4  }
0x183: {  	v3 =	vadd.f32 v3, v4;
	v4 =	vsel vm3, $0x3F800000, v0  }
0x184: {  	v4 =	vadd.f32 v4, v5  }
0x185: {  	[tilespmem:s0+$0x8040] =	vst v3  }
0x186: {  	s4 =	simm.s32 $0x0;
	[tilespmem:s0+$0x8050] =	vst v4  }
0x187: {  	[hbm4b:s13+s4] =	stream.linear.scatter [tilespmem:s20], [sflag:$0x5], $0x8000, $0x38;
	[tilespmem:$0x18000] =	vst v63  }
0x188: {  	_ =	swait.ge [sflag:s24], $0x8000  }
0x189: {  	[sflag:s24] =	ssyncset.done $0x0  }
0x18a: {  	[sflag:s24] =	ssyncadd.s32 $0xFFFF8000  }
0x18b: {  	[tilespmem:s4], [sflag:$0x1] =	stream.linear.gather [hbm4b:s14+s4], $0x8000, $0x38;
	[tilespmem:$0x18000] =	vst v63  }
0x18c: {  	_ =	swait.ge [sflag:s25], $0x8000  }
0x18d: {  	s1 =	sand.u32 $0x7000, s4;
	s0 =	sand.u32 $0x380, s4;
	[sflag:s25] =	ssyncset.done $0x0  }
0x18e: {  	s31 =	sor.u32 s0, s1;
	[sflag:s25] =	ssyncadd.s32 $0xFFFF8000  }
0x18f: {  	v4 =	vld [tilespmem:s31+$0x10030]  }
0x190: {  	v5 =	vld [tilespmem:s31+$0x10020]  }
0x191: {  	v6 =	vld [tilespmem:s31+$0x10010];
	_ =	sdelay $0x2  }
0x192: {  	(xrf0) =	vmax.scan.msk.f32 $0xffff, v4  }
0x193: {  	(xrf0) =	vmax.scan.msk.f32 $0xffff, v5  }
0x194: {  	(xrf0) =	vmax.scan.msk.f32 $0xffff, v6;
	_ =	sdelay $0x1  }
0x195: {  	v3 =	vld [tilespmem:s31+$0x10000];
	_ =	sdelay $0x1  }
0x196: {  	v7, _, _ =	vpop (xrf0)  }
0x197: {  	v7 =	vbroadcast v7, $0xF;
	v8, _, _ =	vpop (xrf0)  }
0x198: {  	s3 =	simm.s32 $0x80;
	s1 =	simm.s32 $0x200;
	v8 =	vbroadcast v8, $0xF;
	v9, _, _ =	vpop (xrf0)  }
0x199: {  	s0 =	sand.u32 $0x7000, s1;
	s1 =	sand.u32 $0x380, s3;
	vm3 =	vgt.f32 v3, $5.000000000e-01;
	v9 =	vbroadcast v9, $0xF;
	vm6 =	veq.f32 v4, v7  }
0x19a: {  	s30 =	sor.u32 s1, s0;
	vm4 =	vmand vm3, vm1;
	vm7 =	veq.f32 v5, v8;
	v5 =	vmctz.xlane vm6  }
0x19b: {  	v3 =	vld [tilespmem:s30+$0x10030];
	v7 =	vmpcnt.ones.xlane vm4;
	vm4 =	veq.f32 v6, v9  }
0x19c: {  	v4 =	vld [tilespmem:s30+$0x10020];
	v9 =	vmctz.xlane vm4;
	vm4 =	vlt.s32 v5, $0x7  }
0x19d: {  	vm5 =	vmand vm3, vm0;
	v63 =	vnsel vm4, $0x7, v5;
	v5 =	vld [tilespmem:s30+$0x10010]  }
0x19e: {  	vm3 =	vmand vm3, vm2;
	v8 =	vmpcnt.ones.xlane vm5;
	v6 =	vmctz.xlane vm7  }
0x19f: {  	v10 =	vmpcnt.ones.xlane vm3  }
0x1a0: {  	v11 =	vld [tilespmem:s30+$0x10000];
	(xrf0) =	vmax.scan.msk.f32 $0xffff, v3;
	vm3 =	vgt.s32 v8, $0x0;
	v6 =	vshll.u32 v6, $0x4  }
0x1a1: {  	vm4 =	vgt.s32 v10, $0x0;
	v6 =	vadd.s32 v9, v6;
	v8 =	vadd.s32 $0x4, v63;
	(xrf0) =	vmax.scan.msk.f32 $0xffff, v4  }
0x1a2: {  	vm6 =	vgt.s32 v7, $0x0;
	v7 =	vld [tilespmem:s31+$0x10040];
	vm5 =	vmand vm3, vm4;
	v6 =	vshrl.u32 v6, v8;
	(xrf0) =	vmax.scan.msk.f32 $0xffff, v5  }
0x1a3: {  	vm15 =	vmneg vm5;
	vm7 =	veq.s32 v6, v2;
	v6 =	vld [tilespmem:s31+$0x10050]  }
0x1a4: {  	vm6 =	vmor vm3, vm6;
	vm5 =	vmand vm5, vm0;
	vm7 =	vmand vm15, vm7  }
0x1a5: {  	s0 =	simm.s32 $0x100;
	s4 =	simm.s32 $0x400;
	vm3 =	vgt.f32 v11, $5.000000000e-01;
	vm6 =	vmand vm6, vm4;
	vm5 =	vmor vm5, vm7  }
0x1a6: {  	s1 =	simm.s32 $0x600;
	s3 =	sand.u32 $0x7000, s4;
	s4 =	sand.u32 $0x380, s0;
	vm4 =	vmand vm3, vm1;
	v8 =	vnsel vm6, $0x0, v1;
	v9, _, _ =	vpop (xrf0);
	vm5 =	vmand vm6, vm5  }
.LBB2_12:
0x1a7: {  	p0 =	sne.s32 s1, $0x7E00;
	s3 =	sor.u32 s4, s3;
	v9 =	vbroadcast v9, $0xF;
	v10, _, _ =	vpop (xrf0);
	v7 =	vadd.f32 v8, v7;
	v8 =	vsel vm5, $0x3F800000, v0  }
0x1a8: {  	vm5 =	vmand vm3, vm0;
	v11 =	vld [tilespmem:s3+$0x10030];
	v10 =	vbroadcast v10, $0xF;
	v12, _, _ =	vpop (xrf0);
	v6 =	vadd.f32 v8, v6  }
0x1a9: {  	vm3 =	vmand vm3, vm2;
	v8 =	vld [tilespmem:s3+$0x10020];
	v12 =	vbroadcast v12, $0xF;
	vm6 =	veq.f32 v3, v9;
	[tilespmem:s31+$0x10040] =	vst v7  }
0x1aa: {  	v9 =	vld [tilespmem:s3+$0x10010];
	vm7 =	veq.f32 v4, v10;
	v14 =	vmctz.xlane vm6;
	v10 =	vmpcnt.ones.xlane vm4;
	[tilespmem:s31+$0x10050] =	vst v6;
	s31 =	smov.u32 s30;
	s30 =	smov.u32 s3  }
0x1ab: {  	vm4 =	veq.f32 v5, v12;
	v16 =	vmctz.xlane vm7;
	v5 =	vmpcnt.ones.xlane vm5  }
0x1ac: {  	v7 =	vmpcnt.ones.xlane vm3;
	v6 =	vmctz.xlane vm4;
	vm4 =	vlt.s32 v14, $0x7  }
0x1ad: {  	v12 =	vld [tilespmem:s30+$0x10000];
	(xrf0) =	vmax.scan.msk.f32 $0xffff, v11;
	v15 =	vshll.u32 v16, $0x4;
	v13 =	vnsel vm4, $0x7, v14;
	vm3 =	vgt.s32 v5, $0x0;
	v3 =	vmovc v11  }
0x1ae: {  	vm4 =	vgt.s32 v7, $0x0;
	(xrf0) =	vmax.scan.msk.f32 $0xffff, v8;
	v11 =	vadd.s32 v6, v15;
	v6 =	vadd.s32 $0x4, v13;
	v4 =	vmovc v8  }
.Ltmp5:
0x1af: {  	vm5 =	vmand vm3, vm4;
	(xrf0) =	vmax.scan.msk.f32 $0xffff, v9;
	v8 =	vshrl.u32 v11, v6;
	v7 =	vld [tilespmem:s31+$0x10040];
	v5 =	vmov v9;
	(pc) =	sbr.rel @p0 .LBB2_12-.Ltmp5, $4  }
0x1b0: {  	vm6 =	vgt.s32 v10, $0x0;
	vm8 =	vmneg vm5;
	v6 =	vld [tilespmem:s31+$0x10050];
	vm7 =	veq.s32 v8, v2  }
0x1b1: {  	vm6 =	vmor vm3, vm6;
	vm5 =	vmand vm5, vm0;
	vm7 =	vmand vm8, vm7  }
0x1b2: {  	s0 =	sadd.s32 $0x80, s0;
	vm6 =	vmand vm6, vm4;
	vm3 =	vgt.f32 v12, $5.000000000e-01;
	vm5 =	vmor vm5, vm7  }
0x1b3: {  	s4 =	sand.u32 $0x380, s0;
	s3 =	sand.u32 $0x7000, s1;
	s1 =	sadd.s32 $0x200, s1;
	v8 =	vnsel vm6, $0x0, v1;
	vm4 =	vmand vm3, vm1;
	v9, _, _ =	vpop (xrf0);
	vm5 =	vmand vm6, vm5  }
0x1b4: {  	s0 =	sor.u32 s4, s3;
	v9 =	vbroadcast v9, $0xF;
	v10, _, _ =	vpop (xrf0);
	v7 =	vadd.f32 v8, v7;
	v8 =	vsel vm5, $0x3F800000, v0  }
0x1b5: {  	vm5 =	vmand vm3, vm0;
	vm3 =	vmand vm3, vm2;
	v11 =	vld [tilespmem:s0+$0x10030];
	v10 =	vbroadcast v10, $0xF;
	v12, _, _ =	vpop (xrf0)  }
0x1b6: {  	v6 =	vadd.f32 v8, v6;
	v8 =	vld [tilespmem:s0+$0x10020];
	v12 =	vbroadcast v12, $0xF;
	vm6 =	veq.f32 v3, v9;
	[tilespmem:s31+$0x10040] =	vst v7  }
0x1b7: {  	v7 =	vmpcnt.ones.xlane vm4;
	v3 =	vld [tilespmem:s0+$0x10010];
	vm7 =	veq.f32 v4, v10;
	v4 =	vmctz.xlane vm6  }
0x1b8: {  	v9 =	vmpcnt.ones.xlane vm5;
	vm4 =	veq.f32 v5, v12;
	v5 =	vmctz.xlane vm7  }
0x1b9: {  	[tilespmem:s31+$0x10050] =	vst v6;
	v10 =	vmpcnt.ones.xlane vm3;
	v6 =	vmctz.xlane vm4;
	vm4 =	vlt.s32 v4, $0x7  }
0x1ba: {  	v62 =	vld [tilespmem:s0+$0x10000];
	vm3 =	vgt.s32 v9, $0x0;
	(xrf0) =	vmax.scan.msk.f32 $0xffff, v11;
	v5 =	vshll.u32 v5, $0x4;
	v4 =	vnsel vm4, $0x7, v4  }
0x1bb: {  	vm4 =	vgt.s32 v10, $0x0;
	(xrf0) =	vmax.scan.msk.f32 $0xffff, v8;
	v5 =	vadd.s32 v6, v5;
	v4 =	vadd.s32 $0x4, v4  }
0x1bc: {  	vm6 =	vgt.s32 v7, $0x0;
	vm5 =	vmand vm3, vm4;
	(xrf0) =	vmax.scan.msk.f32 $0xffff, v3;
	v4 =	vshrl.u32 v5, v4;
	v5 =	vld [tilespmem:s30+$0x10040]  }
0x1bd: {  	vm3 =	vmor vm3, vm6;
	vm8 =	vmneg vm5  }
0x1be: {  	v6 =	vld [tilespmem:s30+$0x10050];
	vm5 =	vmand vm5, vm0;
	vm3 =	vmand vm3, vm4;
	vm7 =	veq.s32 v4, v2  }
0x1bf: {  	v7 =	vnsel vm3, $0x0, v1;
	vm6 =	vmand vm8, vm7;
	vm7 =	vgt.f32 v62, $5.000000000e-01  }
0x1c0: {  	vm4 =	vmor vm5, vm6;
	vm5 =	vmand vm7, vm1;
	vm6 =	vmand vm7, vm2;
	v4, _, _ =	vpop (xrf0)  }
0x1c1: {  	vm3 =	vmand vm3, vm4;
	v4 =	vbroadcast v4, $0xF;
	v9, _, _ =	vpop (xrf0);
	v5 =	vadd.f32 v7, v5  }
0x1c2: {  	v7 =	vsel vm3, $0x3F800000, v0;
	vm3 =	vmand vm7, vm0;
	v9 =	vbroadcast v9, $0xF;
	v10, _, _ =	vpop (xrf0)  }
0x1c3: {  	v6 =	vadd.f32 v7, v6;
	v7 =	vbroadcast v10, $0xF;
	vm4 =	veq.f32 v11, v4  }
0x1c4: {  	v10 =	vmpcnt.ones.xlane vm6;
	vm7 =	veq.f32 v8, v9;
	v4 =	vmctz.xlane vm4  }
0x1c5: {  	v8 =	vmpcnt.ones.xlane vm5;
	vm4 =	veq.f32 v3, v7;
	v3 =	vmctz.xlane vm7  }
0x1c6: {  	v7 =	vmpcnt.ones.xlane vm3;
	v9 =	vmctz.xlane vm4;
	vm3 =	vlt.s32 v4, $0x7  }
0x1c7: {  	[tilespmem:s30+$0x10040] =	vst v5;
	vm4 =	vgt.s32 v10, $0x0;
	v3 =	vshll.u32 v3, $0x4;
	v4 =	vnsel vm3, $0x7, v4  }
0x1c8: {  	[tilespmem:s30+$0x10050] =	vst v6;
	vm3 =	vgt.s32 v7, $0x0;
	v3 =	vadd.s32 v9, v3;
	v4 =	vadd.s32 $0x4, v4  }
0x1c9: {  	vm5 =	vmand vm3, vm4;
	v3 =	vshrl.u32 v3, v4;
	v4 =	vld [tilespmem:s0+$0x10040]  }
0x1ca: {  	v5 =	vld [tilespmem:s0+$0x10050];
	vm6 =	vgt.s32 v8, $0x0;
	vm14 =	vmneg vm5;
	vm7 =	veq.s32 v3, v2  }
0x1cb: {  	vm3 =	vmor vm3, vm6;
	vm5 =	vmand vm5, vm0;
	vm6 =	vmand vm14, vm7  }
0x1cc: {  	vm3 =	vmand vm3, vm4;
	vm4 =	vmor vm5, vm6  }
0x1cd: {  	v3 =	vnsel vm3, $0x0, v1;
	vm3 =	vmand vm3, vm4  }
0x1ce: {  	v3 =	vadd.f32 v3, v4;
	v4 =	vsel vm3, $0x3F800000, v0  }
0x1cf: {  	v4 =	vadd.f32 v4, v5  }
0x1d0: {  	[tilespmem:s0+$0x10040] =	vst v3  }
0x1d1: {  	s4 =	simm.s32 $0x0;
	[tilespmem:s0+$0x10050] =	vst v4  }
0x1d2: {  	[hbm4b:s15+s4] =	stream.linear.scatter [tilespmem:s22], [sflag:$0x6], $0x8000, $0x38;
	[tilespmem:$0x18000] =	vst v63  }
0x1d3: {  	_ =	swait.ge [sflag:s26], $0x8000  }
0x1d4: {  	[sflag:s26] =	ssyncset.done $0x0  }
0x1d5: {  	[sflag:s26] =	ssyncadd.s32 $0xFFFF8000  }
0x1d6: {  	[tilespmem:s20], [sflag:$0x2] =	stream.linear.gather [hbm4b:s16+s4], $0x8000, $0x38;
	[tilespmem:$0x18000] =	vst v63  }
0x1d7: {  	_ =	swait.ge [sflag:s21], $0x8000  }
0x1d8: {  	s1 =	sand.u32 $0x7000, s4;
	s0 =	sand.u32 $0x380, s4;
	[sflag:s21] =	ssyncset.done $0x0  }
0x1d9: {  	s31 =	sor.u32 s0, s1;
	[sflag:s21] =	ssyncadd.s32 $0xFFFF8000  }
0x1da: {  	v4 =	vld [tilespmem:s31+$0x30]  }
0x1db: {  	v5 =	vld [tilespmem:s31+$0x20]  }
0x1dc: {  	v6 =	vld [tilespmem:s31+$0x10];
	_ =	sdelay $0x2  }
0x1dd: {  	(xrf0) =	vmax.scan.msk.f32 $0xffff, v4  }
0x1de: {  	(xrf0) =	vmax.scan.msk.f32 $0xffff, v5  }
0x1df: {  	(xrf0) =	vmax.scan.msk.f32 $0xffff, v6;
	_ =	sdelay $0x1  }
0x1e0: {  	v3 =	vld [tilespmem:s31+$0x0];
	_ =	sdelay $0x1  }
0x1e1: {  	v7, _, _ =	vpop (xrf0)  }
0x1e2: {  	v7 =	vbroadcast v7, $0xF;
	v8, _, _ =	vpop (xrf0)  }
0x1e3: {  	s3 =	simm.s32 $0x80;
	s1 =	simm.s32 $0x200;
	v8 =	vbroadcast v8, $0xF;
	v9, _, _ =	vpop (xrf0)  }
0x1e4: {  	s0 =	sand.u32 $0x7000, s1;
	s1 =	sand.u32 $0x380, s3;
	vm3 =	vgt.f32 v3, $5.000000000e-01;
	v9 =	vbroadcast v9, $0xF;
	vm6 =	veq.f32 v4, v7  }
0x1e5: {  	s30 =	sor.u32 s1, s0;
	vm4 =	vmand vm3, vm1;
	vm7 =	veq.f32 v5, v8;
	v5 =	vmctz.xlane vm6  }
0x1e6: {  	v3 =	vld [tilespmem:s30+$0x30];
	v7 =	vmpcnt.ones.xlane vm4;
	vm4 =	veq.f32 v6, v9  }
0x1e7: {  	v4 =	vld [tilespmem:s30+$0x20];
	v9 =	vmctz.xlane vm4;
	vm4 =	vlt.s32 v5, $0x7  }
0x1e8: {  	vm5 =	vmand vm3, vm0;
	v63 =	vnsel vm4, $0x7, v5;
	v5 =	vld [tilespmem:s30+$0x10]  }
0x1e9: {  	vm3 =	vmand vm3, vm2;
	v8 =	vmpcnt.ones.xlane vm5;
	v6 =	vmctz.xlane vm7  }
0x1ea: {  	v10 =	vmpcnt.ones.xlane vm3  }
0x1eb: {  	v11 =	vld [tilespmem:s30+$0x0];
	(xrf0) =	vmax.scan.msk.f32 $0xffff, v3;
	vm3 =	vgt.s32 v8, $0x0;
	v6 =	vshll.u32 v6, $0x4  }
0x1ec: {  	vm4 =	vgt.s32 v10, $0x0;
	v6 =	vadd.s32 v9, v6;
	v8 =	vadd.s32 $0x4, v63;
	(xrf0) =	vmax.scan.msk.f32 $0xffff, v4  }
0x1ed: {  	vm6 =	vgt.s32 v7, $0x0;
	v7 =	vld [tilespmem:s31+$0x40];
	vm5 =	vmand vm3, vm4;
	v6 =	vshrl.u32 v6, v8;
	(xrf0) =	vmax.scan.msk.f32 $0xffff, v5  }
0x1ee: {  	vm15 =	vmneg vm5;
	vm7 =	veq.s32 v6, v2;
	v6 =	vld [tilespmem:s31+$0x50]  }
0x1ef: {  	vm6 =	vmor vm3, vm6;
	vm5 =	vmand vm5, vm0;
	vm7 =	vmand vm15, vm7  }
0x1f0: {  	s0 =	simm.s32 $0x100;
	s4 =	simm.s32 $0x400;
	vm3 =	vgt.f32 v11, $5.000000000e-01;
	vm6 =	vmand vm6, vm4;
	vm5 =	vmor vm5, vm7  }
0x1f1: {  	s1 =	simm.s32 $0x600;
	s3 =	sand.u32 $0x7000, s4;
	s4 =	sand.u32 $0x380, s0;
	vm4 =	vmand vm3, vm1;
	v8 =	vnsel vm6, $0x0, v1;
	v9, _, _ =	vpop (xrf0);
	vm5 =	vmand vm6, vm5  }
.LBB2_14:
0x1f2: {  	p0 =	sne.s32 s1, $0x7E00;
	s3 =	sor.u32 s4, s3;
	v9 =	vbroadcast v9, $0xF;
	v10, _, _ =	vpop (xrf0);
	v7 =	vadd.f32 v8, v7;
	v8 =	vsel vm5, $0x3F800000, v0  }
0x1f3: {  	vm5 =	vmand vm3, vm0;
	v11 =	vld [tilespmem:s3+$0x30];
	v10 =	vbroadcast v10, $0xF;
	v12, _, _ =	vpop (xrf0);
	v6 =	vadd.f32 v8, v6  }
0x1f4: {  	vm3 =	vmand vm3, vm2;
	v8 =	vld [tilespmem:s3+$0x20];
	v12 =	vbroadcast v12, $0xF;
	vm6 =	veq.f32 v3, v9;
	[tilespmem:s31+$0x40] =	vst v7  }
0x1f5: {  	v9 =	vld [tilespmem:s3+$0x10];
	vm7 =	veq.f32 v4, v10;
	v14 =	vmctz.xlane vm6;
	v10 =	vmpcnt.ones.xlane vm4;
	[tilespmem:s31+$0x50] =	vst v6;
	s31 =	smov.u32 s30;
	s30 =	smov.u32 s3  }
0x1f6: {  	vm4 =	veq.f32 v5, v12;
	v16 =	vmctz.xlane vm7;
	v5 =	vmpcnt.ones.xlane vm5  }
0x1f7: {  	v7 =	vmpcnt.ones.xlane vm3;
	v6 =	vmctz.xlane vm4;
	vm4 =	vlt.s32 v14, $0x7  }
0x1f8: {  	v12 =	vld [tilespmem:s30+$0x0];
	(xrf0) =	vmax.scan.msk.f32 $0xffff, v11;
	v15 =	vshll.u32 v16, $0x4;
	v13 =	vnsel vm4, $0x7, v14;
	vm3 =	vgt.s32 v5, $0x0;
	v3 =	vmovc v11  }
0x1f9: {  	vm4 =	vgt.s32 v7, $0x0;
	(xrf0) =	vmax.scan.msk.f32 $0xffff, v8;
	v11 =	vadd.s32 v6, v15;
	v6 =	vadd.s32 $0x4, v13;
	v4 =	vmovc v8  }
.Ltmp6:
0x1fa: {  	vm5 =	vmand vm3, vm4;
	(xrf0) =	vmax.scan.msk.f32 $0xffff, v9;
	v8 =	vshrl.u32 v11, v6;
	v7 =	vld [tilespmem:s31+$0x40];
	v5 =	vmov v9;
	(pc) =	sbr.rel @p0 .LBB2_14-.Ltmp6, $4  }
0x1fb: {  	vm6 =	vgt.s32 v10, $0x0;
	vm8 =	vmneg vm5;
	v6 =	vld [tilespmem:s31+$0x50];
	vm7 =	veq.s32 v8, v2  }
0x1fc: {  	vm6 =	vmor vm3, vm6;
	vm5 =	vmand vm5, vm0;
	vm7 =	vmand vm8, vm7  }
0x1fd: {  	s0 =	sadd.s32 $0x80, s0;
	vm6 =	vmand vm6, vm4;
	vm3 =	vgt.f32 v12, $5.000000000e-01;
	vm5 =	vmor vm5, vm7  }
0x1fe: {  	s4 =	sand.u32 $0x380, s0;
	s3 =	sand.u32 $0x7000, s1;
	s1 =	sadd.s32 $0x200, s1;
	v8 =	vnsel vm6, $0x0, v1;
	vm4 =	vmand vm3, vm1;
	v9, _, _ =	vpop (xrf0);
	vm5 =	vmand vm6, vm5  }
0x1ff: {  	s0 =	sor.u32 s4, s3;
	v9 =	vbroadcast v9, $0xF;
	v10, _, _ =	vpop (xrf0);
	v7 =	vadd.f32 v8, v7;
	v8 =	vsel vm5, $0x3F800000, v0  }
0x200: {  	vm5 =	vmand vm3, vm0;
	vm3 =	vmand vm3, vm2;
	v11 =	vld [tilespmem:s0+$0x30];
	v10 =	vbroadcast v10, $0xF;
	v12, _, _ =	vpop (xrf0)  }
0x201: {  	v6 =	vadd.f32 v8, v6;
	v8 =	vld [tilespmem:s0+$0x20];
	v12 =	vbroadcast v12, $0xF;
	vm6 =	veq.f32 v3, v9;
	[tilespmem:s31+$0x40] =	vst v7  }
0x202: {  	v7 =	vmpcnt.ones.xlane vm4;
	v3 =	vld [tilespmem:s0+$0x10];
	vm7 =	veq.f32 v4, v10;
	v4 =	vmctz.xlane vm6  }
0x203: {  	v9 =	vmpcnt.ones.xlane vm5;
	vm4 =	veq.f32 v5, v12;
	v5 =	vmctz.xlane vm7  }
0x204: {  	[tilespmem:s31+$0x50] =	vst v6;
	v10 =	vmpcnt.ones.xlane vm3;
	v6 =	vmctz.xlane vm4;
	vm4 =	vlt.s32 v4, $0x7  }
0x205: {  	v62 =	vld [tilespmem:s0+$0x0];
	vm3 =	vgt.s32 v9, $0x0;
	(xrf0) =	vmax.scan.msk.f32 $0xffff, v11;
	v5 =	vshll.u32 v5, $0x4;
	v4 =	vnsel vm4, $0x7, v4  }
0x206: {  	vm4 =	vgt.s32 v10, $0x0;
	(xrf0) =	vmax.scan.msk.f32 $0xffff, v8;
	v5 =	vadd.s32 v6, v5;
	v4 =	vadd.s32 $0x4, v4  }
0x207: {  	vm6 =	vgt.s32 v7, $0x0;
	vm5 =	vmand vm3, vm4;
	(xrf0) =	vmax.scan.msk.f32 $0xffff, v3;
	v4 =	vshrl.u32 v5, v4;
	v5 =	vld [tilespmem:s30+$0x40]  }
0x208: {  	vm3 =	vmor vm3, vm6;
	vm8 =	vmneg vm5  }
0x209: {  	v6 =	vld [tilespmem:s30+$0x50];
	vm5 =	vmand vm5, vm0;
	vm3 =	vmand vm3, vm4;
	vm7 =	veq.s32 v4, v2  }
0x20a: {  	v7 =	vnsel vm3, $0x0, v1;
	vm6 =	vmand vm8, vm7;
	vm7 =	vgt.f32 v62, $5.000000000e-01  }
0x20b: {  	vm4 =	vmor vm5, vm6;
	vm5 =	vmand vm7, vm1;
	vm6 =	vmand vm7, vm2;
	v4, _, _ =	vpop (xrf0)  }
0x20c: {  	vm3 =	vmand vm3, vm4;
	v4 =	vbroadcast v4, $0xF;
	v9, _, _ =	vpop (xrf0);
	v5 =	vadd.f32 v7, v5  }
0x20d: {  	v7 =	vsel vm3, $0x3F800000, v0;
	vm3 =	vmand vm7, vm0;
	v9 =	vbroadcast v9, $0xF;
	v10, _, _ =	vpop (xrf0)  }
0x20e: {  	v6 =	vadd.f32 v7, v6;
	v7 =	vbroadcast v10, $0xF;
	vm4 =	veq.f32 v11, v4  }
0x20f: {  	v10 =	vmpcnt.ones.xlane vm6;
	vm7 =	veq.f32 v8, v9;
	v4 =	vmctz.xlane vm4  }
0x210: {  	v8 =	vmpcnt.ones.xlane vm5;
	vm4 =	veq.f32 v3, v7;
	v3 =	vmctz.xlane vm7  }
0x211: {  	v7 =	vmpcnt.ones.xlane vm3;
	v9 =	vmctz.xlane vm4;
	vm3 =	vlt.s32 v4, $0x7  }
0x212: {  	[tilespmem:s30+$0x40] =	vst v5;
	vm4 =	vgt.s32 v10, $0x0;
	v3 =	vshll.u32 v3, $0x4;
	v4 =	vnsel vm3, $0x7, v4  }
0x213: {  	[tilespmem:s30+$0x50] =	vst v6;
	vm3 =	vgt.s32 v7, $0x0;
	v3 =	vadd.s32 v9, v3;
	v4 =	vadd.s32 $0x4, v4  }
0x214: {  	vm5 =	vmand vm3, vm4;
	v3 =	vshrl.u32 v3, v4;
	v4 =	vld [tilespmem:s0+$0x40]  }
0x215: {  	v5 =	vld [tilespmem:s0+$0x50];
	vm6 =	vgt.s32 v8, $0x0;
	vm14 =	vmneg vm5;
	vm7 =	veq.s32 v3, v2  }
0x216: {  	vm3 =	vmor vm3, vm6;
	vm5 =	vmand vm5, vm0;
	vm6 =	vmand vm14, vm7  }
0x217: {  	vm3 =	vmand vm3, vm4;
	vm4 =	vmor vm5, vm6  }
0x218: {  	v3 =	vnsel vm3, $0x0, v1;
	vm3 =	vmand vm3, vm4  }
0x219: {  	v3 =	vadd.f32 v3, v4;
	v4 =	vsel vm3, $0x3F800000, v0  }
0x21a: {  	v4 =	vadd.f32 v4, v5  }
0x21b: {  	[tilespmem:s0+$0x40] =	vst v3  }
0x21c: {  	s4 =	simm.s32 $0x0;
	[tilespmem:s0+$0x50] =	vst v4  }
0x21d: {  	[hbm4b:s17+s4] =	stream.linear.scatter [tilespmem:s4], [sflag:$0x4], $0x8000, $0x38;
	[tilespmem:$0x18000] =	vst v63  }
0x21e: {  	_ =	swait.ge [sflag:s23], $0x8000  }
0x21f: {  	s1 =	sand.u32 $0x7000, s4;
	s0 =	sand.u32 $0x380, s4;
	[sflag:s23] =	ssyncset.done $0x0  }
0x220: {  	s31 =	sor.u32 s0, s1;
	[sflag:s23] =	ssyncadd.s32 $0xFFFF8000  }
0x221: {  	v4 =	vld [tilespmem:s31+$0x8030]  }
0x222: {  	v5 =	vld [tilespmem:s31+$0x8020]  }
0x223: {  	v6 =	vld [tilespmem:s31+$0x8010];
	_ =	sdelay $0x2  }
0x224: {  	(xrf0) =	vmax.scan.msk.f32 $0xffff, v4  }
0x225: {  	(xrf0) =	vmax.scan.msk.f32 $0xffff, v5  }
0x226: {  	(xrf0) =	vmax.scan.msk.f32 $0xffff, v6;
	_ =	sdelay $0x1  }
0x227: {  	v3 =	vld [tilespmem:s31+$0x8000];
	_ =	sdelay $0x1  }
0x228: {  	v7, _, _ =	vpop (xrf0)  }
0x229: {  	v7 =	vbroadcast v7, $0xF;
	v8, _, _ =	vpop (xrf0)  }
0x22a: {  	s3 =	simm.s32 $0x80;
	s1 =	simm.s32 $0x200;
	v8 =	vbroadcast v8, $0xF;
	v9, _, _ =	vpop (xrf0)  }
0x22b: {  	s0 =	sand.u32 $0x7000, s1;
	s1 =	sand.u32 $0x380, s3;
	vm3 =	vgt.f32 v3, $5.000000000e-01;
	v9 =	vbroadcast v9, $0xF;
	vm6 =	veq.f32 v4, v7  }
0x22c: {  	s30 =	sor.u32 s1, s0;
	vm4 =	vmand vm3, vm1;
	vm7 =	veq.f32 v5, v8;
	v5 =	vmctz.xlane vm6  }
0x22d: {  	v3 =	vld [tilespmem:s30+$0x8030];
	v7 =	vmpcnt.ones.xlane vm4;
	vm4 =	veq.f32 v6, v9  }
0x22e: {  	v4 =	vld [tilespmem:s30+$0x8020];
	v9 =	vmctz.xlane vm4;
	vm4 =	vlt.s32 v5, $0x7  }
0x22f: {  	vm5 =	vmand vm3, vm0;
	v63 =	vnsel vm4, $0x7, v5;
	v5 =	vld [tilespmem:s30+$0x8010]  }
0x230: {  	vm3 =	vmand vm3, vm2;
	v8 =	vmpcnt.ones.xlane vm5;
	v6 =	vmctz.xlane vm7  }
0x231: {  	v10 =	vmpcnt.ones.xlane vm3  }
0x232: {  	v11 =	vld [tilespmem:s30+$0x8000];
	(xrf0) =	vmax.scan.msk.f32 $0xffff, v3;
	vm3 =	vgt.s32 v8, $0x0;
	v6 =	vshll.u32 v6, $0x4  }
0x233: {  	vm4 =	vgt.s32 v10, $0x0;
	v6 =	vadd.s32 v9, v6;
	v8 =	vadd.s32 $0x4, v63;
	(xrf0) =	vmax.scan.msk.f32 $0xffff, v4  }
0x234: {  	vm6 =	vgt.s32 v7, $0x0;
	v7 =	vld [tilespmem:s31+$0x8040];
	vm5 =	vmand vm3, vm4;
	v6 =	vshrl.u32 v6, v8;
	(xrf0) =	vmax.scan.msk.f32 $0xffff, v5  }
0x235: {  	vm15 =	vmneg vm5;
	vm7 =	veq.s32 v6, v2;
	v6 =	vld [tilespmem:s31+$0x8050]  }
0x236: {  	vm6 =	vmor vm3, vm6;
	vm5 =	vmand vm5, vm0;
	vm7 =	vmand vm15, vm7  }
0x237: {  	s4 =	simm.s32 $0x400;
	s0 =	simm.s32 $0x100;
	vm3 =	vgt.f32 v11, $5.000000000e-01;
	vm6 =	vmand vm6, vm4;
	vm5 =	vmor vm5, vm7  }
0x238: {  	s3 =	sand.u32 $0x7000, s4;
	s1 =	simm.s32 $0x600;
	s4 =	sand.u32 $0x380, s0;
	vm4 =	vmand vm3, vm1;
	v8 =	vnsel vm6, $0x0, v1;
	v9, _, _ =	vpop (xrf0);
	vm5 =	vmand vm6, vm5  }
.LBB2_16:
0x239: {  	p0 =	sne.s32 s1, $0x7E00;
	s3 =	sor.u32 s4, s3;
	v9 =	vbroadcast v9, $0xF;
	v10, _, _ =	vpop (xrf0);
	v7 =	vadd.f32 v8, v7;
	v8 =	vsel vm5, $0x3F800000, v0  }
0x23a: {  	vm5 =	vmand vm3, vm0;
	v11 =	vld [tilespmem:s3+$0x8030];
	v10 =	vbroadcast v10, $0xF;
	v12, _, _ =	vpop (xrf0);
	v6 =	vadd.f32 v8, v6  }
0x23b: {  	vm3 =	vmand vm3, vm2;
	v8 =	vld [tilespmem:s3+$0x8020];
	v12 =	vbroadcast v12, $0xF;
	vm6 =	veq.f32 v3, v9;
	[tilespmem:s31+$0x8040] =	vst v7  }
0x23c: {  	v9 =	vld [tilespmem:s3+$0x8010];
	vm7 =	veq.f32 v4, v10;
	v14 =	vmctz.xlane vm6;
	v10 =	vmpcnt.ones.xlane vm4;
	[tilespmem:s31+$0x8050] =	vst v6;
	s31 =	smov.u32 s30;
	s30 =	smov.u32 s3  }
0x23d: {  	vm4 =	veq.f32 v5, v12;
	v16 =	vmctz.xlane vm7;
	v5 =	vmpcnt.ones.xlane vm5  }
0x23e: {  	v7 =	vmpcnt.ones.xlane vm3;
	v6 =	vmctz.xlane vm4;
	vm4 =	vlt.s32 v14, $0x7  }
0x23f: {  	v12 =	vld [tilespmem:s30+$0x8000];
	(xrf0) =	vmax.scan.msk.f32 $0xffff, v11;
	v15 =	vshll.u32 v16, $0x4;
	v13 =	vnsel vm4, $0x7, v14;
	vm3 =	vgt.s32 v5, $0x0;
	v3 =	vmovc v11  }
0x240: {  	vm4 =	vgt.s32 v7, $0x0;
	(xrf0) =	vmax.scan.msk.f32 $0xffff, v8;
	v11 =	vadd.s32 v6, v15;
	v6 =	vadd.s32 $0x4, v13;
	v4 =	vmovc v8  }
.Ltmp7:
0x241: {  	vm5 =	vmand vm3, vm4;
	(xrf0) =	vmax.scan.msk.f32 $0xffff, v9;
	v8 =	vshrl.u32 v11, v6;
	v7 =	vld [tilespmem:s31+$0x8040];
	v5 =	vmov v9;
	(pc) =	sbr.rel @p0 .LBB2_16-.Ltmp7, $4  }
0x242: {  	vm6 =	vgt.s32 v10, $0x0;
	vm8 =	vmneg vm5;
	v6 =	vld [tilespmem:s31+$0x8050];
	vm7 =	veq.s32 v8, v2  }
0x243: {  	vm6 =	vmor vm3, vm6;
	vm5 =	vmand vm5, vm0;
	vm7 =	vmand vm8, vm7  }
0x244: {  	s0 =	sadd.s32 $0x80, s0;
	vm6 =	vmand vm6, vm4;
	vm3 =	vgt.f32 v12, $5.000000000e-01;
	vm5 =	vmor vm5, vm7  }
0x245: {  	s4 =	sand.u32 $0x380, s0;
	s3 =	sand.u32 $0x7000, s1;
	s1 =	sadd.s32 $0x200, s1;
	v8 =	vnsel vm6, $0x0, v1;
	vm4 =	vmand vm3, vm1;
	v9, _, _ =	vpop (xrf0);
	vm5 =	vmand vm6, vm5  }
0x246: {  	s0 =	sor.u32 s4, s3;
	v9 =	vbroadcast v9, $0xF;
	v7 =	vadd.f32 v8, v7  }
0x247: {  	v10, _, _ =	vpop (xrf0);
	v41 =	vsel vm5, $0x3F800000, v0;
	vm12 =	vmand vm3, vm0;
	vm3 =	vmand vm3, vm2;
	v11 =	vld [tilespmem:s0+$0x8030]  }
0x248: {  	v44 =	vmpcnt.ones.xlane vm4;
	v10 =	vbroadcast v10, $0xF;
	v6 =	vadd.f32 v41, v6;
	v42 =	vld [tilespmem:s0+$0x8020];
	[tilespmem:s31+$0x8040] =	vst v7  }
0x249: {  	v12, _, _ =	vpop (xrf0);
	v46 =	vmpcnt.ones.xlane vm12;
	v48 =	vmpcnt.ones.xlane vm3;
	vm6 =	veq.f32 v3, v9;
	v3 =	vld [tilespmem:s0+$0x8010]  }
0x24a: {  	v12 =	vbroadcast v12, $0xF;
	vm12 =	vgt.s32 v44, $0x0;
	vm7 =	veq.f32 v4, v10  }
0x24b: {  	v49 =	vld [tilespmem:s0+$0x8000];
	v43 =	vmctz.xlane vm6;
	[tilespmem:s31+$0x8050] =	vst v6;
	vm3 =	vgt.s32 v46, $0x0;
	vm4 =	vgt.s32 v48, $0x0  }
0x24c: {  	vm13 =	veq.f32 v5, v12;
	v45 =	vmctz.xlane vm7;
	vm15 =	vmand vm3, vm4;
	(xrf0) =	vmax.scan.msk.f32 $0xffff, v11  }
0x24d: {  	vm3 =	vmor vm3, vm12;
	v47 =	vmctz.xlane vm13;
	vm14 =	vlt.s32 v43, $0x7;
	(xrf0) =	vmax.scan.msk.f32 $0xffff, v42  }
0x24e: {  	vm8 =	vmneg vm15;
	v5 =	vshll.u32 v45, $0x4;
	v4 =	vnsel vm14, $0x7, v43;
	(xrf0) =	vmax.scan.msk.f32 $0xffff, v3  }
0x24f: {  	v50 =	vld [tilespmem:s30+$0x8040];
	vm5 =	vmand vm15, vm0;
	v5 =	vadd.s32 v47, v5;
	v4 =	vadd.s32 $0x4, v4  }
0x250: {  	vm3 =	vmand vm3, vm4;
	vm15 =	vgt.f32 v49, $5.000000000e-01;
	v4 =	vshrl.u32 v5, v4  }
0x251: {  	v53 =	vnsel vm3, $0x0, v1;
	vm10 =	vmand vm15, vm1;
	vm13 =	veq.s32 v4, v2  }
0x252: {  	v51 =	vld [tilespmem:s30+$0x8050];
	vm12 =	vmand vm15, vm2;
	v58 =	vmpcnt.ones.xlane vm10;
	vm14 =	vmand vm8, vm13;
	v52, _, _ =	vpop (xrf0)  }
0x253: {  	v61 =	vmpcnt.ones.xlane vm12;
	vm9 =	vmor vm5, vm14;
	v4 =	vbroadcast v52, $0xF;
	v54, _, _ =	vpop (xrf0)  }
0x254: {  	v5 =	vadd.f32 v53, v50;
	vm3 =	vmand vm3, vm9;
	v9 =	vbroadcast v54, $0xF;
	v56, _, _ =	vpop (xrf0)  }
0x255: {  	v55 =	vsel vm3, $0x3F800000, v0;
	v57 =	vbroadcast v56, $0xF;
	vm11 =	veq.f32 v11, v4  }
0x256: {  	vm3 =	vmand vm15, vm0;
	vm13 =	veq.f32 v42, v9;
	v4 =	vmctz.xlane vm11  }
0x257: {  	v6 =	vadd.f32 v55, v51;
	vm14 =	veq.f32 v3, v57;
	v3 =	vmctz.xlane vm13  }
0x258: {  	v59 =	vmpcnt.ones.xlane vm3;
	v60 =	vmctz.xlane vm14;
	vm3 =	vlt.s32 v4, $0x7  }
0x259: {  	vm4 =	vgt.s32 v61, $0x0;
	[tilespmem:s30+$0x8040] =	vst v5;
	v3 =	vshll.u32 v3, $0x4;
	v4 =	vnsel vm3, $0x7, v4  }
0x25a: {  	[tilespmem:s30+$0x8050] =	vst v6;
	vm3 =	vgt.s32 v59, $0x0;
	v3 =	vadd.s32 v60, v3;
	v4 =	vadd.s32 $0x4, v4  }
0x25b: {  	v62 =	vld [tilespmem:s0+$0x8040];
	vm5 =	vmand vm3, vm4;
	v3 =	vshrl.u32 v3, v4  }
0x25c: {  	vm15 =	vgt.s32 v58, $0x0;
	v5 =	vld [tilespmem:s0+$0x8050];
	vm13 =	vmneg vm5;
	vm12 =	veq.s32 v3, v2  }
0x25d: {  	vm3 =	vmor vm3, vm15;
	vm5 =	vmand vm5, vm0;
	vm14 =	vmand vm13, vm12  }
0x25e: {  	vm3 =	vmand vm3, vm4;
	vm15 =	vmor vm5, vm14  }
0x25f: {  	v3 =	vnsel vm3, $0x0, v1;
	vm3 =	vmand vm3, vm15  }
0x260: {  	v3 =	vadd.f32 v3, v62;
	v63 =	vsel vm3, $0x3F800000, v0  }
0x261: {  	v4 =	vadd.f32 v63, v5  }
0x262: {  	[tilespmem:s0+$0x8040] =	vst v3  }
0x263: {  	[tilespmem:s0+$0x8050] =	vst v4  }
0x264: {  	[hbm4b:s18+s2] =	stream.linear.scatter [tilespmem:s20], [sflag:$0x5], $0x8000, $0x38;
	[tilespmem:$0x18000] =	vst v63  }
0x265: {  	_ =	swait.ge [sflag:s28], $0x8000  }
0x266: {  	[sflag:s28] =	ssyncset.done $0x0  }
0x267: {  	s29 =	sadd.s32 $0x1, s29;
	[sflag:s28] =	ssyncadd.s32 $0xFFFF8000  }
0x268: {  	p0 =	sne.s32 s29, s19;
	_ =	swait.ge [sflag:s24], $0x8000  }
.Ltmp8:
0x269: {  	[sflag:s24] =	ssyncset.done $0x0;
	(pc) =	sbr.rel @p0 .LBB2_1-.Ltmp8, $4  }
0x26a: {  	[sflag:s24] =	ssyncadd.s32 $0xFFFF8000  }
0x26b: {  	_ =	swait.ge [sflag:s26], $0x8000  }
0x26c: {  	[sflag:s26] =	ssyncset.done $0x0  }
0x26d: {  	[sflag:s26] =	ssyncadd.s32 $0xFFFF8000  }
0x26e: {  	_ =	sfence.sel $0x180000  }
0x26f: {  	[bflag:$0x0] =	sbarrier.arrive $0xFFFF  }
0x270: {  	_ =	strace $0x90000047  }
0x271: {  	s0 =	stileid.u32;
	[bflag:$0x2] =	sbarrier.arrive $0xFFFF  }
0x272: {  	p0 =	sne.s32 s0, $0x0;
	s0 =	rddreg [dreg:$0x2]  }
0x273: {  	s0 =	sadd.s32 @!p0 $0x100000, s0  }
0x274: {  	[sflag:s0] =	ssyncadd.tile.s32 @!p0 $0x1;
	_ =	shalt  }
.Lfunc_end2:
_tile_overlayer_lowered:
.L_overlay_start_2:
0x275: {  	(tag) =	ssettag $0x2  }
0x276: {  	s0 =	rddreg [dreg:$0x0];
	s2 =	stileid.u32  }
0x277: {  	s1 =	rddreg [dreg:$0x1];
	p0 =	sne.s32 s2, $0x0  }
0x278: {  	s3 =	rddreg [dreg:$0x2];
	[bflag:$0x3] =	sbarrier.arrive $0xFFFF;
	s2 =	simm.s32 @!p0 $0x1C07  }
0x279: {  	[timem:s3], [sflag:s2] =	dma.local @!p0 [hbm:s0], s1  }
0x27a: {  	s0 =	simm.s32 @!p0 $0x7  }
0x27b: {  	_ =	swait.ge @!p0 [sflag:s0], s1  }
0x27c: {  	s1 =	ssub.s32 @!p0 $0x0, s1;
	[sflag:s0] =	ssyncset.done @!p0 $0x0  }
0x27d: {  	[sflag:s0] =	ssyncadd.s32 @!p0 s1  }
0x27e: {  	[bflag:$0x3] =	sbarrier.arrive $0xFFFF  }
0x27f: {  	_ =	shalt  }

</sc_bundles>
